<compile_context>
chip_gen: v7x
topology: tpu7x:2x2x1
jax: 0.10.2.dev20260603
libtpu: 0.0.44.dev20260713+nightly
codegen_flags: <defaults>
</compile_context>

<pallas_src>
import functools

import jax
import jax.numpy as jnp
from jax import lax
from jax.experimental import pallas as pl
from jax.experimental.pallas import tpu as pltpu
from jax.experimental.pallas import tpu_sc as plsc

N = 10000
N_PAD = 10240
E_PAD = 327680
CHUNK = 128
NC, NS = 2, 16
NCH_TOT = E_PAD // CHUNK
NCH_TILE = NCH_TOT // (NC * NS)
RPT = N_PAD // NS
KB = 16
NBL = NCH_TILE // KB

_vector_mesh = plsc.VectorSubcoreMesh(core_axis_name="c", subcore_axis_name="s")


def _make_deg_kernel():

    @functools.partial(
        pl.kernel,
        out_type=jax.ShapeDtypeStruct((NC * N_PAD,), jnp.float32),
        mesh=_vector_mesh,
        scratch_types=[
            pltpu.VMEM_SHARED((N_PAD,), jnp.float32),
            pltpu.VMEM((NCH_TILE, CHUNK), jnp.int32),
            pltpu.VMEM((CHUNK,), jnp.float32),
        ],
    )
    def deg_kernel(dst_hbm, ones_hbm, z1_hbm, out_hbm, accum, idx_v, ones_v):
        c = lax.axis_index("c")
        s = lax.axis_index("s")
        wid = c * NS + s
        pltpu.sync_copy(ones_hbm, ones_v)
        pltpu.sync_copy(dst_hbm.at[pl.ds(wid * NCH_TILE, NCH_TILE)], idx_v)
        pltpu.sync_copy(z1_hbm, accum.at[pl.ds(s * RPT, RPT)])
        plsc.subcore_barrier()

        @pl.loop(0, NCH_TILE)
        def _(j):
            pltpu.sync_copy(ones_v, accum.at[idx_v.at[j]], add=True)

        plsc.subcore_barrier()
        pltpu.sync_copy(
            accum.at[pl.ds(s * RPT, RPT)],
            out_hbm.at[pl.ds(c * N_PAD + s * RPT, RPT)],
        )

    return deg_kernel


def _make_agg_kernel():
    D = 128

    @functools.partial(
        pl.kernel,
        out_type=jax.ShapeDtypeStruct((NC * N_PAD, D), jnp.float32),
        mesh=_vector_mesh,
        scratch_types=[
            pltpu.VMEM_SHARED((N_PAD, D), jnp.float32),
            pltpu.VMEM((KB, CHUNK), jnp.int32),
            pltpu.VMEM((KB, CHUNK), jnp.int32),
            pltpu.VMEM((2, CHUNK, D), jnp.float32),
            pltpu.SemaphoreType.DMA,
            pltpu.SemaphoreType.DMA,
        ],
    )
    def agg_kernel(src_hbm, dst_hbm, v_hbm, z_hbm, out_hbm,
                   accum, srcidx_v, dstidx_v, rows_v, sem0, sem1):
        c = lax.axis_index("c")
        s = lax.axis_index("s")
        wid = c * NS + s
        base = wid * NCH_TILE
        pltpu.sync_copy(z_hbm, accum.at[pl.ds(s * RPT, RPT)])
        plsc.subcore_barrier()

        @pl.loop(0, NBL)
        def _(bl):
            pltpu.sync_copy(src_hbm.at[pl.ds(base + bl * KB, KB)], srcidx_v)
            pltpu.sync_copy(dst_hbm.at[pl.ds(base + bl * KB, KB)], dstidx_v)
            pltpu.async_copy(v_hbm.at[srcidx_v.at[0]], rows_v.at[0], sem0)

            @pl.loop(0, KB, step=2)
            def _(j):
                pltpu.async_copy(v_hbm.at[srcidx_v.at[j + 1]], rows_v.at[1], sem1)
                pltpu.make_async_copy(
                    v_hbm.at[srcidx_v.at[j]], rows_v.at[0], sem0).wait()
                pltpu.sync_copy(rows_v.at[0], accum.at[dstidx_v.at[j]], add=True)

                @pl.when(j + 2 < KB)
                def _():
                    pltpu.async_copy(v_hbm.at[srcidx_v.at[j + 2]], rows_v.at[0], sem0)

                pltpu.make_async_copy(
                    v_hbm.at[srcidx_v.at[j + 1]], rows_v.at[1], sem1).wait()
                pltpu.sync_copy(rows_v.at[1], accum.at[dstidx_v.at[j + 1]], add=True)

        plsc.subcore_barrier()
        pltpu.sync_copy(
            accum.at[pl.ds(s * RPT, RPT)],
            out_hbm.at[pl.ds(c * N_PAD + s * RPT, RPT)],
        )

    return agg_kernel


BR = 1024


def _scale_body(hist_ref, x_ref, xs_ref, dinv_ref):
    deg = hist_ref[0] + hist_ref[1] + 1.0
    dinv = lax.rsqrt(deg)
    dinv_ref[...] = dinv
    xs_ref[...] = dinv * x_ref[...]


def _dense_body(aggp_ref, xs_ref, dinv_ref, w1_ref, b1_ref, w2_ref, xs2_ref):
    dinv = dinv_ref[...]
    t = dinv * (aggp_ref[0] + aggp_ref[1] + xs_ref[...])
    h = jnp.dot(t, w1_ref[...], preferred_element_type=jnp.float32) + b1_ref[...]
    h = jnp.maximum(h, 0.0)
    p2 = jnp.dot(h, w2_ref[...], preferred_element_type=jnp.float32)
    xs2_ref[...] = dinv * p2


def _finish_body(agg2_ref, xs2_ref, dinv_ref, b2_ref, o_ref):
    o_ref[...] = (
        dinv_ref[...] * (agg2_ref[0] + agg2_ref[1] + xs2_ref[...]) + b2_ref[...]
    )


def _tc_scale(hist3, x_pad):
    return pl.pallas_call(
        _scale_body,
        grid=(N_PAD // BR,),
        in_specs=[
            pl.BlockSpec((2, BR, 1), lambda i: (0, i, 0)),
            pl.BlockSpec((BR, 128), lambda i: (i, 0)),
        ],
        out_specs=[
            pl.BlockSpec((BR, 128), lambda i: (i, 0)),
            pl.BlockSpec((BR, 1), lambda i: (i, 0)),
        ],
        out_shape=[
            jax.ShapeDtypeStruct((N_PAD, 128), jnp.float32),
            jax.ShapeDtypeStruct((N_PAD, 1), jnp.float32),
        ],
    )(hist3, x_pad)


def _tc_dense(aggp, xs, dinv, W1, b1r, W2p):
    return pl.pallas_call(
        _dense_body,
        grid=(N_PAD // BR,),
        in_specs=[
            pl.BlockSpec((2, BR, 128), lambda i: (0, i, 0)),
            pl.BlockSpec((BR, 128), lambda i: (i, 0)),
            pl.BlockSpec((BR, 1), lambda i: (i, 0)),
            pl.BlockSpec((128, 256), lambda i: (0, 0)),
            pl.BlockSpec((1, 256), lambda i: (0, 0)),
            pl.BlockSpec((256, 128), lambda i: (0, 0)),
        ],
        out_specs=pl.BlockSpec((BR, 128), lambda i: (i, 0)),
        out_shape=jax.ShapeDtypeStruct((N_PAD, 128), jnp.float32),
    )(aggp, xs, dinv, W1, b1r, W2p)


def _tc_finish(agg2p, xs2, dinv, b2r):
    return pl.pallas_call(
        _finish_body,
        grid=(N_PAD // BR,),
        in_specs=[
            pl.BlockSpec((2, BR, 128), lambda i: (0, i, 0)),
            pl.BlockSpec((BR, 128), lambda i: (i, 0)),
            pl.BlockSpec((BR, 1), lambda i: (i, 0)),
            pl.BlockSpec((1, 128), lambda i: (0, 0)),
        ],
        out_specs=pl.BlockSpec((BR, 128), lambda i: (i, 0)),
        out_shape=jax.ShapeDtypeStruct((N_PAD, 128), jnp.float32),
    )(agg2p, xs2, dinv, b2r)


def kernel(x, edge_index, W1, b1, Wc, bc, Wk, bk):
    E = edge_index.shape[1]
    ei = edge_index.astype(jnp.int32)
    pad_src = jnp.full((E_PAD - E,), N, jnp.int32)
    pad_dst = N + (jnp.arange(E_PAD - E, dtype=jnp.int32) % (N_PAD - N))
    src2d = jnp.concatenate([ei[0], pad_src]).reshape(NCH_TOT, CHUNK)
    dst2d = jnp.concatenate([ei[1], pad_dst]).reshape(NCH_TOT, CHUNK)
    x_pad = jnp.pad(x, ((0, N_PAD - N), (0, 0)))

    ones128 = jnp.ones((CHUNK,), jnp.float32)
    z1 = jnp.zeros((RPT,), jnp.float32)
    z128 = jnp.zeros((RPT, 128), jnp.float32)

    hist = _make_deg_kernel()(dst2d, ones128, z1)
    hist3 = hist.reshape(NC, N_PAD, 1)
    xs, dinv = _tc_scale(hist3, x_pad)

    aggp = _make_agg_kernel()(src2d, dst2d, xs, z128).reshape(NC, N_PAD, 128)

    W2p = jnp.concatenate([Wc, Wk, jnp.zeros((256, 72), jnp.float32)], axis=1)
    b1r = b1.reshape(1, 256)
    xs2 = _tc_dense(aggp, xs, dinv, W1, b1r, W2p)

    agg2p = _make_agg_kernel()(src2d, dst2d, xs2, z128).reshape(NC, N_PAD, 128)

    b2r = jnp.concatenate([bc, bk, jnp.zeros((72,), jnp.float32)]).reshape(1, 128)
    outp = _tc_finish(agg2p, xs2, dinv, b2r)
    return outp[:N, :40], outp[:N, 40:56]

# --- scband reference (transcript-rebuilt; emitter-appended) ---
"""Pipeline reference for scband-multi-task-gcn-25340307046428 (READ-ONLY COPY).

The authoritative reference and input builder live on the scoring server;
editing this copy changes nothing except your own understanding.
"""

import jax, jax.numpy as jnp
import numpy as np

N_NODES = 10000


def gcn_conv(x, edge_index, W, b):
    # PyG GCNConv with add_self_loops=True, normalize=True, bias=True
    num_nodes = x.shape[0]
    src = edge_index[0]
    dst = edge_index[1]
    loop = jnp.arange(num_nodes, dtype=src.dtype)
    src = jnp.concatenate([src, loop])
    dst = jnp.concatenate([dst, loop])
    deg = jnp.zeros((num_nodes,), dtype=x.dtype).at[dst].add(1.0)
    deg_inv_sqrt = jnp.where(deg > 0, deg ** -0.5, 0.0)
    norm = deg_inv_sqrt[src] * deg_inv_sqrt[dst]
    h = x @ W
    msg = h[src] * norm[:, None]
    out = jnp.zeros((num_nodes, W.shape[1]), dtype=x.dtype).at[dst].add(msg)
    return out + b


def setup_inputs(seed: int = 0) -> dict:
    key = jax.random.key(seed)
    k1, k2, k3, k4, k5 = jax.random.split(key, 5)
    x = jax.random.normal(k1, (N_NODES, 128), dtype=jnp.float32)
    edge_index = jax.random.randint(k2, (2, 320000), 0, N_NODES, dtype=jnp.int64)
    W1 = jax.random.normal(k3, (128, 256), dtype=jnp.float32) * (1.0 / np.sqrt(128))
    b1 = jnp.zeros((256,), dtype=jnp.float32)
    Wc = jax.random.normal(k4, (256, 40), dtype=jnp.float32) * (1.0 / np.sqrt(256))
    bc = jnp.zeros((40,), dtype=jnp.float32)
    Wk = jax.random.normal(k5, (256, 16), dtype=jnp.float32) * (1.0 / np.sqrt(256))
    bk = jnp.zeros((16,), dtype=jnp.float32)
    return {"x": x, "edge_index": edge_index, "W1": W1, "b1": b1, "Wc": Wc, "bc": bc, "Wk": Wk, "bk": bk}


def reference(x, edge_index, W1, b1, Wc, bc, Wk, bk):
    h = jax.nn.relu(gcn_conv(x, edge_index, W1, b1))
    # dropout is identity in eval mode (training=False)
    node_classification = gcn_conv(h, edge_index, Wc, bc)
    node_clustering = gcn_conv(h, edge_index, Wk, bk)
    return (node_classification, node_clustering)

if __name__ == "__main__":
    import jax
    _d = setup_inputs()
    print(jax.jit(kernel)(*tuple(_d.values())))

</pallas_src>

<mosaic_0001>
#map = affine_map<(d0, d1) -> (0, 0)>
#map1 = affine_map<(d0, d1) -> (0)>
module attributes {stable_mosaic.version = 14 : i64} {
  func.func @deg_kernel(%arg0: i32, %arg1: i32, %arg2: memref<2560x128xi32, #tpu.memory_space<hbm>>, %arg3: memref<128xf32, #tpu.memory_space<hbm>>, %arg4: memref<640xf32, #tpu.memory_space<hbm>>, %arg5: memref<20480xf32, #tpu.memory_space<hbm>>, %arg6: memref<10240xf32, #tpu.memory_space<vmem_shared>>, %arg7: memref<80x128xi32, #tpu.memory_space<vmem>>, %arg8: memref<128xf32, #tpu.memory_space<vmem>>) attributes {dimension_semantics = [#tpu.dimension_semantics<core_parallel>, #tpu.dimension_semantics<subcore_parallel>], iteration_bounds = array<i64: 2, 16>, scalar_prefetch = 0 : i64, scratch_operands = 3 : i64, tpu.core_type = #tpu.core_type<sc_vector_subcore>, window_params = [{transform_indices = #map}, {transform_indices = #map1}, {transform_indices = #map1}, {transform_indices = #map1}]} {
    %mul3A = arith.constant 16 : i32
    %mul3A_0 = arith.muli %arg0, %mul3A : i32
    %add3A = arith.addi %mul3A_0, %arg1 : i32
    "tpu.region"() ({
      %run_scoped3A = tpu.sem_alloc : memref<!tpu.dma_semaphore, #tpu.memory_space<semaphore_mem>>
      tpu.enqueue_dma source(%arg3 : memref<128xf32, #tpu.memory_space<hbm>>) target(%arg8 : memref<128xf32, #tpu.memory_space<vmem>>) target_semaphore(%run_scoped3A : memref<!tpu.dma_semaphore, #tpu.memory_space<semaphore_mem>>)
      tpu.wait_dma2 semaphore(%run_scoped3A : memref<!tpu.dma_semaphore, #tpu.memory_space<semaphore_mem>>) src(%arg3 : memref<128xf32, #tpu.memory_space<hbm>>) dst(%arg8 : memref<128xf32, #tpu.memory_space<vmem>>)
      tpu.yield
    }) : () -> ()
    %mul3A_1 = arith.constant 80 : i32
    %mul3A_2 = arith.muli %add3A, %mul3A_1 : i32
    "tpu.region"() ({
      %run_scoped3A = tpu.sem_alloc : memref<!tpu.dma_semaphore, #tpu.memory_space<semaphore_mem>>
      %dma_start3A = arith.constant 0 : i32
      %dma_start3A_17 = tpu.memref_slice %arg2[%mul3A_2, %dma_start3A] : memref<2560x128xi32, #tpu.memory_space<hbm>> -> memref<80x128xi32, #tpu.memory_space<hbm>>
      %dma_start3A_18 = arith.constant 0 : i32
      %dma_start3A_19 = tpu.memref_slice %arg2[%mul3A_2, %dma_start3A_18] : memref<2560x128xi32, #tpu.memory_space<hbm>> -> memref<80x128xi32, #tpu.memory_space<hbm>>
      tpu.enqueue_dma source(%dma_start3A_19 : memref<80x128xi32, #tpu.memory_space<hbm>>) target(%arg7 : memref<80x128xi32, #tpu.memory_space<vmem>>) target_semaphore(%run_scoped3A : memref<!tpu.dma_semaphore, #tpu.memory_space<semaphore_mem>>)
      %dma_wait3A = arith.constant 0 : i32
      %dma_wait3A_20 = tpu.memref_slice %arg2[%mul3A_2, %dma_wait3A] : memref<2560x128xi32, #tpu.memory_space<hbm>> -> memref<80x128xi32, #tpu.memory_space<hbm>>
      %dma_wait3A_21 = arith.constant 0 : i32
      %dma_wait3A_22 = tpu.memref_slice %arg2[%mul3A_2, %dma_wait3A_21] : memref<2560x128xi32, #tpu.memory_space<hbm>> -> memref<80x128xi32, #tpu.memory_space<hbm>>
      tpu.wait_dma2 semaphore(%run_scoped3A : memref<!tpu.dma_semaphore, #tpu.memory_space<semaphore_mem>>) src(%dma_wait3A_22 : memref<80x128xi32, #tpu.memory_space<hbm>>) dst(%arg7 : memref<80x128xi32, #tpu.memory_space<vmem>>)
      tpu.yield
    }) : () -> ()
    %mul3A_3 = arith.constant 640 : i32
    %mul3A_4 = arith.muli %arg1, %mul3A_3 : i32
    "tpu.region"() ({
      %run_scoped3A = tpu.sem_alloc : memref<!tpu.dma_semaphore, #tpu.memory_space<semaphore_mem>>
      %dma_start3A = tpu.memref_slice %arg6[%mul3A_4] : memref<10240xf32, #tpu.memory_space<vmem_shared>> -> memref<640xf32, #tpu.memory_space<vmem_shared>>
      tpu.enqueue_dma source(%arg4 : memref<640xf32, #tpu.memory_space<hbm>>) target(%dma_start3A : memref<640xf32, #tpu.memory_space<vmem_shared>>) target_semaphore(%run_scoped3A : memref<!tpu.dma_semaphore, #tpu.memory_space<semaphore_mem>>)
      %dma_wait3A = tpu.memref_slice %arg6[%mul3A_4] : memref<10240xf32, #tpu.memory_space<vmem_shared>> -> memref<640xf32, #tpu.memory_space<vmem_shared>>
      tpu.wait_dma2 semaphore(%run_scoped3A : memref<!tpu.dma_semaphore, #tpu.memory_space<semaphore_mem>>) src(%arg4 : memref<640xf32, #tpu.memory_space<hbm>>) dst(%dma_wait3A : memref<640xf32, #tpu.memory_space<vmem_shared>>)
      tpu.yield
    }) : () -> ()
    %barrier3A = arith.constant 0 : index
    tpu.barrier barrier_id(%barrier3A)
    %scan3A = arith.constant 0 : i32
    %scan3A_5 = arith.constant 80 : i32
    %scan3A_6 = arith.addi %scan3A, %scan3A_5 : i32
    %scan3A_7 = arith.constant 1 : i32
    scf.for %scan3A_17 = %scan3A to %scan3A_6 step %scan3A_7  : i32 {
      %mul3A_18 = arith.constant 1 : i32
      %mul3A_19 = arith.muli %scan3A_17, %mul3A_18 : i32
      %add3A_20 = arith.constant 0 : i32
      %add3A_21 = arith.addi %add3A_20, %mul3A_19 : i32
      "tpu.region"() ({
        %run_scoped3A = tpu.sem_alloc : memref<!tpu.dma_semaphore, #tpu.memory_space<semaphore_mem>>
        %dma_start3A = arith.constant 0 : i32
        %dma_start3A_22 = tpu.memref_slice %arg7[%add3A_21, %dma_start3A] : memref<80x128xi32, #tpu.memory_space<vmem>> -> memref<1x128xi32, #tpu.memory_space<vmem>>
        %dma_start3A_23 = tpu.memref_squeeze %dma_start3A_22 : memref<1x128xi32, #tpu.memory_space<vmem>> -> memref<128xi32, #tpu.memory_space<vmem>>
        %dma_start3A_24 = arith.constant 0 : i32
        %dma_start3A_25 = tpu.memref_slice %arg6[%dma_start3A_24] : memref<10240xf32, #tpu.memory_space<vmem_shared>> -> memref<10240xf32, #tpu.memory_space<vmem_shared>>
        tpu.enqueue_indirect_dma source(%arg8 : memref<128xf32, #tpu.memory_space<vmem>>) target(%dma_start3A_25 : memref<10240xf32, #tpu.memory_space<vmem_shared>>) offsets(%dma_start3A_23 : memref<128xi32, #tpu.memory_space<vmem>>) semaphore(%run_scoped3A : memref<!tpu.dma_semaphore, #tpu.memory_space<semaphore_mem>>) {add = true}
        %dma_wait3A = arith.constant 0 : i32
        %dma_wait3A_26 = tpu.memref_slice %arg7[%add3A_21, %dma_wait3A] : memref<80x128xi32, #tpu.memory_space<vmem>> -> memref<1x128xi32, #tpu.memory_space<vmem>>
        %dma_wait3A_27 = tpu.memref_squeeze %dma_wait3A_26 : memref<1x128xi32, #tpu.memory_space<vmem>> -> memref<128xi32, #tpu.memory_space<vmem>>
        %dma_wait3A_28 = arith.constant 0 : i32
        %dma_wait3A_29 = tpu.memref_slice %arg6[%dma_wait3A_28] : memref<10240xf32, #tpu.memory_space<vmem_shared>> -> memref<10240xf32, #tpu.memory_space<vmem_shared>>
        tpu.wait_indirect_dma semaphore(%run_scoped3A : memref<!tpu.dma_semaphore, #tpu.memory_space<semaphore_mem>>) src(%arg8 : memref<128xf32, #tpu.memory_space<vmem>>) dst(%dma_wait3A_29 : memref<10240xf32, #tpu.memory_space<vmem_shared>>)
        tpu.yield
      }) : () -> ()
    }
    %scan3A_8 = arith.constant 80 : i32
    %barrier3A_9 = arith.constant 0 : index
    tpu.barrier barrier_id(%barrier3A_9)
    %mul3A_10 = arith.constant 640 : i32
    %mul3A_11 = arith.muli %arg1, %mul3A_10 : i32
    %mul3A_12 = arith.constant 10240 : i32
    %mul3A_13 = arith.muli %arg0, %mul3A_12 : i32
    %mul3A_14 = arith.constant 640 : i32
    %mul3A_15 = arith.muli %arg1, %mul3A_14 : i32
    %add3A_16 = arith.addi %mul3A_13, %mul3A_15 : i32
    "tpu.region"() ({
      %run_scoped3A = tpu.sem_alloc : memref<!tpu.dma_semaphore, #tpu.memory_space<semaphore_mem>>
      %dma_start3A = tpu.memref_slice %arg5[%add3A_16] : memref<20480xf32, #tpu.memory_space<hbm>> -> memref<640xf32, #tpu.memory_space<hbm>>
      %dma_start3A_17 = tpu.memref_slice %arg6[%mul3A_11] : memref<10240xf32, #tpu.memory_space<vmem_shared>> -> memref<640xf32, #tpu.memory_space<vmem_shared>>
      tpu.enqueue_dma source(%dma_start3A_17 : memref<640xf32, #tpu.memory_space<vmem_shared>>) target(%dma_start3A : memref<640xf32, #tpu.memory_space<hbm>>) target_semaphore(%run_scoped3A : memref<!tpu.dma_semaphore, #tpu.memory_space<semaphore_mem>>)
      %dma_wait3A = tpu.memref_slice %arg5[%add3A_16] : memref<20480xf32, #tpu.memory_space<hbm>> -> memref<640xf32, #tpu.memory_space<hbm>>
      %dma_wait3A_18 = tpu.memref_slice %arg6[%mul3A_11] : memref<10240xf32, #tpu.memory_space<vmem_shared>> -> memref<640xf32, #tpu.memory_space<vmem_shared>>
      tpu.wait_dma2 semaphore(%run_scoped3A : memref<!tpu.dma_semaphore, #tpu.memory_space<semaphore_mem>>) src(%dma_wait3A_18 : memref<640xf32, #tpu.memory_space<vmem_shared>>) dst(%dma_wait3A : memref<640xf32, #tpu.memory_space<hbm>>)
      tpu.yield
    }) : () -> ()
    return
  }
}

#map = affine_map<(d0, d1) -> (0, 0)>
module attributes {stable_mosaic.version = 14 : i64} {
  func.func @agg_kernel(%arg0: i32, %arg1: i32, %arg2: memref<2560x128xi32, #tpu.memory_space<hbm>>, %arg3: memref<2560x128xi32, #tpu.memory_space<hbm>>, %arg4: memref<10240x128xf32, #tpu.memory_space<hbm>>, %arg5: memref<640x128xf32, #tpu.memory_space<hbm>>, %arg6: memref<20480x128xf32, #tpu.memory_space<hbm>>, %arg7: memref<10240x128xf32, #tpu.memory_space<vmem_shared>>, %arg8: memref<16x128xi32, #tpu.memory_space<vmem>>, %arg9: memref<16x128xi32, #tpu.memory_space<vmem>>, %arg10: memref<2x128x128xf32, #tpu.memory_space<vmem>>, %arg11: memref<!tpu.dma_semaphore, #tpu.memory_space<semaphore_mem>>, %arg12: memref<!tpu.dma_semaphore, #tpu.memory_space<semaphore_mem>>) attributes {dimension_semantics = [#tpu.dimension_semantics<core_parallel>, #tpu.dimension_semantics<subcore_parallel>], iteration_bounds = array<i64: 2, 16>, scalar_prefetch = 0 : i64, scratch_operands = 6 : i64, tpu.core_type = #tpu.core_type<sc_vector_subcore>, window_params = [{transform_indices = #map}, {transform_indices = #map}, {transform_indices = #map}, {transform_indices = #map}, {transform_indices = #map}]} {
    %mul3A = arith.constant 16 : i32
    %mul3A_0 = arith.muli %arg0, %mul3A : i32
    %add3A = arith.addi %mul3A_0, %arg1 : i32
    %mul3A_1 = arith.constant 80 : i32
    %mul3A_2 = arith.muli %add3A, %mul3A_1 : i32
    %mul3A_3 = arith.constant 640 : i32
    %mul3A_4 = arith.muli %arg1, %mul3A_3 : i32
    "tpu.region"() ({
      %run_scoped3A = tpu.sem_alloc : memref<!tpu.dma_semaphore, #tpu.memory_space<semaphore_mem>>
      %dma_start3A = arith.constant 0 : i32
      %dma_start3A_17 = tpu.memref_slice %arg7[%mul3A_4, %dma_start3A] : memref<10240x128xf32, #tpu.memory_space<vmem_shared>> -> memref<640x128xf32, #tpu.memory_space<vmem_shared>>
      tpu.enqueue_dma source(%arg5 : memref<640x128xf32, #tpu.memory_space<hbm>>) target(%dma_start3A_17 : memref<640x128xf32, #tpu.memory_space<vmem_shared>>) target_semaphore(%run_scoped3A : memref<!tpu.dma_semaphore, #tpu.memory_space<semaphore_mem>>)
      %dma_wait3A = arith.constant 0 : i32
      %dma_wait3A_18 = tpu.memref_slice %arg7[%mul3A_4, %dma_wait3A] : memref<10240x128xf32, #tpu.memory_space<vmem_shared>> -> memref<640x128xf32, #tpu.memory_space<vmem_shared>>
      tpu.wait_dma2 semaphore(%run_scoped3A : memref<!tpu.dma_semaphore, #tpu.memory_space<semaphore_mem>>) src(%arg5 : memref<640x128xf32, #tpu.memory_space<hbm>>) dst(%dma_wait3A_18 : memref<640x128xf32, #tpu.memory_space<vmem_shared>>)
      tpu.yield
    }) : () -> ()
    %barrier3A = arith.constant 0 : index
    tpu.barrier barrier_id(%barrier3A)
    %scan3A = arith.constant 0 : i32
    %scan3A_5 = arith.constant 5 : i32
    %scan3A_6 = arith.addi %scan3A, %scan3A_5 : i32
    %scan3A_7 = arith.constant 1 : i32
    scf.for %scan3A_17 = %scan3A to %scan3A_6 step %scan3A_7  : i32 {
      %mul3A_18 = arith.constant 1 : i32
      %mul3A_19 = arith.muli %scan3A_17, %mul3A_18 : i32
      %add3A_20 = arith.constant 0 : i32
      %add3A_21 = arith.addi %add3A_20, %mul3A_19 : i32
      %mul3A_22 = arith.constant 16 : i32
      %mul3A_23 = arith.muli %add3A_21, %mul3A_22 : i32
      %add3A_24 = arith.addi %mul3A_2, %mul3A_23 : i32
      "tpu.region"() ({
        %run_scoped3A = tpu.sem_alloc : memref<!tpu.dma_semaphore, #tpu.memory_space<semaphore_mem>>
        %dma_start3A_44 = arith.constant 0 : i32
        %dma_start3A_45 = tpu.memref_slice %arg2[%add3A_24, %dma_start3A_44] : memref<2560x128xi32, #tpu.memory_space<hbm>> -> memref<16x128xi32, #tpu.memory_space<hbm>>
        %dma_start3A_46 = arith.constant 0 : i32
        %dma_start3A_47 = tpu.memref_slice %arg2[%add3A_24, %dma_start3A_46] : memref<2560x128xi32, #tpu.memory_space<hbm>> -> memref<16x128xi32, #tpu.memory_space<hbm>>
        tpu.enqueue_dma source(%dma_start3A_47 : memref<16x128xi32, #tpu.memory_space<hbm>>) target(%arg8 : memref<16x128xi32, #tpu.memory_space<vmem>>) target_semaphore(%run_scoped3A : memref<!tpu.dma_semaphore, #tpu.memory_space<semaphore_mem>>)
        %dma_wait3A = arith.constant 0 : i32
        %dma_wait3A_48 = tpu.memref_slice %arg2[%add3A_24, %dma_wait3A] : memref<2560x128xi32, #tpu.memory_space<hbm>> -> memref<16x128xi32, #tpu.memory_space<hbm>>
        %dma_wait3A_49 = arith.constant 0 : i32
        %dma_wait3A_50 = tpu.memref_slice %arg2[%add3A_24, %dma_wait3A_49] : memref<2560x128xi32, #tpu.memory_space<hbm>> -> memref<16x128xi32, #tpu.memory_space<hbm>>
        tpu.wait_dma2 semaphore(%run_scoped3A : memref<!tpu.dma_semaphore, #tpu.memory_space<semaphore_mem>>) src(%dma_wait3A_50 : memref<16x128xi32, #tpu.memory_space<hbm>>) dst(%arg8 : memref<16x128xi32, #tpu.memory_space<vmem>>)
        tpu.yield
      }) : () -> ()
      %mul3A_25 = arith.constant 16 : i32
      %mul3A_26 = arith.muli %add3A_21, %mul3A_25 : i32
      %add3A_27 = arith.addi %mul3A_2, %mul3A_26 : i32
      "tpu.region"() ({
        %run_scoped3A = tpu.sem_alloc : memref<!tpu.dma_semaphore, #tpu.memory_space<semaphore_mem>>
        %dma_start3A_44 = arith.constant 0 : i32
        %dma_start3A_45 = tpu.memref_slice %arg3[%add3A_27, %dma_start3A_44] : memref<2560x128xi32, #tpu.memory_space<hbm>> -> memref<16x128xi32, #tpu.memory_space<hbm>>
        %dma_start3A_46 = arith.constant 0 : i32
        %dma_start3A_47 = tpu.memref_slice %arg3[%add3A_27, %dma_start3A_46] : memref<2560x128xi32, #tpu.memory_space<hbm>> -> memref<16x128xi32, #tpu.memory_space<hbm>>
        tpu.enqueue_dma source(%dma_start3A_47 : memref<16x128xi32, #tpu.memory_space<hbm>>) target(%arg9 : memref<16x128xi32, #tpu.memory_space<vmem>>) target_semaphore(%run_scoped3A : memref<!tpu.dma_semaphore, #tpu.memory_space<semaphore_mem>>)
        %dma_wait3A = arith.constant 0 : i32
        %dma_wait3A_48 = tpu.memref_slice %arg3[%add3A_27, %dma_wait3A] : memref<2560x128xi32, #tpu.memory_space<hbm>> -> memref<16x128xi32, #tpu.memory_space<hbm>>
        %dma_wait3A_49 = arith.constant 0 : i32
        %dma_wait3A_50 = tpu.memref_slice %arg3[%add3A_27, %dma_wait3A_49] : memref<2560x128xi32, #tpu.memory_space<hbm>> -> memref<16x128xi32, #tpu.memory_space<hbm>>
        tpu.wait_dma2 semaphore(%run_scoped3A : memref<!tpu.dma_semaphore, #tpu.memory_space<semaphore_mem>>) src(%dma_wait3A_50 : memref<16x128xi32, #tpu.memory_space<hbm>>) dst(%arg9 : memref<16x128xi32, #tpu.memory_space<vmem>>)
        tpu.yield
      }) : () -> ()
      %dma_start3A = arith.constant 0 : i32
      %dma_start3A_28 = arith.constant 0 : i32
      %dma_start3A_29 = arith.constant 0 : i32
      %dma_start3A_30 = arith.constant 0 : i32
      %dma_start3A_31 = tpu.memref_slice %arg10[%dma_start3A_28, %dma_start3A_29, %dma_start3A_30] : memref<2x128x128xf32, #tpu.memory_space<vmem>> -> memref<1x128x128xf32, #tpu.memory_space<vmem>>
      %dma_start3A_32 = tpu.memref_squeeze %dma_start3A_31 : memref<1x128x128xf32, #tpu.memory_space<vmem>> -> memref<128x128xf32, #tpu.memory_space<vmem>>
      %dma_start3A_33 = arith.constant 0 : i32
      %dma_start3A_34 = tpu.memref_slice %arg8[%dma_start3A, %dma_start3A_33] : memref<16x128xi32, #tpu.memory_space<vmem>> -> memref<1x128xi32, #tpu.memory_space<vmem>>
      %dma_start3A_35 = tpu.memref_squeeze %dma_start3A_34 : memref<1x128xi32, #tpu.memory_space<vmem>> -> memref<128xi32, #tpu.memory_space<vmem>>
      %dma_start3A_36 = arith.constant 0 : i32
      %dma_start3A_37 = arith.constant 0 : i32
      %dma_start3A_38 = tpu.memref_slice %arg4[%dma_start3A_36, %dma_start3A_37] : memref<10240x128xf32, #tpu.memory_space<hbm>> -> memref<10240x128xf32, #tpu.memory_space<hbm>>
      tpu.enqueue_indirect_dma source(%dma_start3A_38 : memref<10240x128xf32, #tpu.memory_space<hbm>>) target(%dma_start3A_32 : memref<128x128xf32, #tpu.memory_space<vmem>>) offsets(%dma_start3A_35 : memref<128xi32, #tpu.memory_space<vmem>>) semaphore(%arg11 : memref<!tpu.dma_semaphore, #tpu.memory_space<semaphore_mem>>)
      %scan3A_39 = arith.constant 0 : i32
      %scan3A_40 = arith.constant 8 : i32
      %scan3A_41 = arith.addi %scan3A_39, %scan3A_40 : i32
      %scan3A_42 = arith.constant 1 : i32
      scf.for %scan3A_44 = %scan3A_39 to %scan3A_41 step %scan3A_42  : i32 {
        %mul3A_45 = arith.constant 2 : i32
        %mul3A_46 = arith.muli %scan3A_44, %mul3A_45 : i32
        %add3A_47 = arith.constant 0 : i32
        %add3A_48 = arith.addi %add3A_47, %mul3A_46 : i32
        %add3A_49 = arith.constant 1 : i32
        %add3A_50 = arith.addi %add3A_48, %add3A_49 : i32
        %dma_start3A_51 = arith.constant 1 : i32
        %dma_start3A_52 = arith.constant 0 : i32
        %dma_start3A_53 = arith.constant 0 : i32
        %dma_start3A_54 = tpu.memref_slice %arg10[%dma_start3A_51, %dma_start3A_52, %dma_start3A_53] : memref<2x128x128xf32, #tpu.memory_space<vmem>> -> memref<1x128x128xf32, #tpu.memory_space<vmem>>
        %dma_start3A_55 = tpu.memref_squeeze %dma_start3A_54 : memref<1x128x128xf32, #tpu.memory_space<vmem>> -> memref<128x128xf32, #tpu.memory_space<vmem>>
        %dma_start3A_56 = arith.constant 0 : i32
        %dma_start3A_57 = tpu.memref_slice %arg8[%add3A_50, %dma_start3A_56] : memref<16x128xi32, #tpu.memory_space<vmem>> -> memref<1x128xi32, #tpu.memory_space<vmem>>
        %dma_start3A_58 = tpu.memref_squeeze %dma_start3A_57 : memref<1x128xi32, #tpu.memory_space<vmem>> -> memref<128xi32, #tpu.memory_space<vmem>>
        %dma_start3A_59 = arith.constant 0 : i32
        %dma_start3A_60 = arith.constant 0 : i32
        %dma_start3A_61 = tpu.memref_slice %arg4[%dma_start3A_59, %dma_start3A_60] : memref<10240x128xf32, #tpu.memory_space<hbm>> -> memref<10240x128xf32, #tpu.memory_space<hbm>>
        tpu.enqueue_indirect_dma source(%dma_start3A_61 : memref<10240x128xf32, #tpu.memory_space<hbm>>) target(%dma_start3A_55 : memref<128x128xf32, #tpu.memory_space<vmem>>) offsets(%dma_start3A_58 : memref<128xi32, #tpu.memory_space<vmem>>) semaphore(%arg12 : memref<!tpu.dma_semaphore, #tpu.memory_space<semaphore_mem>>)
        %dma_wait3A = arith.constant 0 : i32
        %dma_wait3A_62 = arith.constant 0 : i32
        %dma_wait3A_63 = arith.constant 0 : i32
        %dma_wait3A_64 = tpu.memref_slice %arg10[%dma_wait3A, %dma_wait3A_62, %dma_wait3A_63] : memref<2x128x128xf32, #tpu.memory_space<vmem>> -> memref<1x128x128xf32, #tpu.memory_space<vmem>>
        %dma_wait3A_65 = tpu.memref_squeeze %dma_wait3A_64 : memref<1x128x128xf32, #tpu.memory_space<vmem>> -> memref<128x128xf32, #tpu.memory_space<vmem>>
        %dma_wait3A_66 = arith.constant 0 : i32
        %dma_wait3A_67 = tpu.memref_slice %arg8[%add3A_48, %dma_wait3A_66] : memref<16x128xi32, #tpu.memory_space<vmem>> -> memref<1x128xi32, #tpu.memory_space<vmem>>
        %dma_wait3A_68 = tpu.memref_squeeze %dma_wait3A_67 : memref<1x128xi32, #tpu.memory_space<vmem>> -> memref<128xi32, #tpu.memory_space<vmem>>
        %dma_wait3A_69 = arith.constant 0 : i32
        %dma_wait3A_70 = arith.constant 0 : i32
        %dma_wait3A_71 = tpu.memref_slice %arg4[%dma_wait3A_69, %dma_wait3A_70] : memref<10240x128xf32, #tpu.memory_space<hbm>> -> memref<10240x128xf32, #tpu.memory_space<hbm>>
        tpu.wait_indirect_dma semaphore(%arg11 : memref<!tpu.dma_semaphore, #tpu.memory_space<semaphore_mem>>) src(%dma_wait3A_71 : memref<10240x128xf32, #tpu.memory_space<hbm>>) dst(%dma_wait3A_65 : memref<128x128xf32, #tpu.memory_space<vmem>>)
        %run_scoped3A = arith.constant 0 : i32
        "tpu.region"() ({
          %run_scoped3A_92 = tpu.sem_alloc : memref<!tpu.dma_semaphore, #tpu.memory_space<semaphore_mem>>
          %dma_start3A_93 = arith.constant 0 : i32
          %dma_start3A_94 = arith.constant 0 : i32
          %dma_start3A_95 = tpu.memref_slice %arg10[%run_scoped3A, %dma_start3A_93, %dma_start3A_94] : memref<2x128x128xf32, #tpu.memory_space<vmem>> -> memref<1x128x128xf32, #tpu.memory_space<vmem>>
          %dma_start3A_96 = tpu.memref_squeeze %dma_start3A_95 : memref<1x128x128xf32, #tpu.memory_space<vmem>> -> memref<128x128xf32, #tpu.memory_space<vmem>>
          %dma_start3A_97 = arith.constant 0 : i32
          %dma_start3A_98 = tpu.memref_slice %arg9[%add3A_48, %dma_start3A_97] : memref<16x128xi32, #tpu.memory_space<vmem>> -> memref<1x128xi32, #tpu.memory_space<vmem>>
          %dma_start3A_99 = tpu.memref_squeeze %dma_start3A_98 : memref<1x128xi32, #tpu.memory_space<vmem>> -> memref<128xi32, #tpu.memory_space<vmem>>
          %dma_start3A_100 = arith.constant 0 : i32
          %dma_start3A_101 = arith.constant 0 : i32
          %dma_start3A_102 = tpu.memref_slice %arg7[%dma_start3A_100, %dma_start3A_101] : memref<10240x128xf32, #tpu.memory_space<vmem_shared>> -> memref<10240x128xf32, #tpu.memory_space<vmem_shared>>
          tpu.enqueue_indirect_dma source(%dma_start3A_96 : memref<128x128xf32, #tpu.memory_space<vmem>>) target(%dma_start3A_102 : memref<10240x128xf32, #tpu.memory_space<vmem_shared>>) offsets(%dma_start3A_99 : memref<128xi32, #tpu.memory_space<vmem>>) semaphore(%run_scoped3A_92 : memref<!tpu.dma_semaphore, #tpu.memory_space<semaphore_mem>>) {add = true}
          %dma_wait3A_103 = arith.constant 0 : i32
          %dma_wait3A_104 = arith.constant 0 : i32
          %dma_wait3A_105 = tpu.memref_slice %arg10[%run_scoped3A, %dma_wait3A_103, %dma_wait3A_104] : memref<2x128x128xf32, #tpu.memory_space<vmem>> -> memref<1x128x128xf32, #tpu.memory_space<vmem>>
          %dma_wait3A_106 = tpu.memref_squeeze %dma_wait3A_105 : memref<1x128x128xf32, #tpu.memory_space<vmem>> -> memref<128x128xf32, #tpu.memory_space<vmem>>
          %dma_wait3A_107 = arith.constant 0 : i32
          %dma_wait3A_108 = tpu.memref_slice %arg9[%add3A_48, %dma_wait3A_107] : memref<16x128xi32, #tpu.memory_space<vmem>> -> memref<1x128xi32, #tpu.memory_space<vmem>>
          %dma_wait3A_109 = tpu.memref_squeeze %dma_wait3A_108 : memref<1x128xi32, #tpu.memory_space<vmem>> -> memref<128xi32, #tpu.memory_space<vmem>>
          %dma_wait3A_110 = arith.constant 0 : i32
          %dma_wait3A_111 = arith.constant 0 : i32
          %dma_wait3A_112 = tpu.memref_slice %arg7[%dma_wait3A_110, %dma_wait3A_111] : memref<10240x128xf32, #tpu.memory_space<vmem_shared>> -> memref<10240x128xf32, #tpu.memory_space<vmem_shared>>
          tpu.wait_indirect_dma semaphore(%run_scoped3A_92 : memref<!tpu.dma_semaphore, #tpu.memory_space<semaphore_mem>>) src(%dma_wait3A_106 : memref<128x128xf32, #tpu.memory_space<vmem>>) dst(%dma_wait3A_112 : memref<10240x128xf32, #tpu.memory_space<vmem_shared>>)
          tpu.yield
        }) : () -> ()
        %add3A_72 = arith.constant 2 : i32
        %add3A_73 = arith.addi %add3A_48, %add3A_72 : i32
        %lt3A = arith.constant 16 : i32
        %lt3A_74 = arith.cmpi slt, %add3A_73, %lt3A : i32
        %convert_element_type3A = arith.extui %lt3A_74 : i1 to i32
        %cond3A = arith.constant 0 : i32
        %cond3A_75 = arith.cmpi ne, %convert_element_type3A, %cond3A : i32
        scf.if %cond3A_75 {
          %add3A_92 = arith.constant 2 : i32
          %add3A_93 = arith.addi %add3A_48, %add3A_92 : i32
          %dma_start3A_94 = arith.constant 0 : i32
          %dma_start3A_95 = arith.constant 0 : i32
          %dma_start3A_96 = arith.constant 0 : i32
          %dma_start3A_97 = tpu.memref_slice %arg10[%dma_start3A_94, %dma_start3A_95, %dma_start3A_96] : memref<2x128x128xf32, #tpu.memory_space<vmem>> -> memref<1x128x128xf32, #tpu.memory_space<vmem>>
          %dma_start3A_98 = tpu.memref_squeeze %dma_start3A_97 : memref<1x128x128xf32, #tpu.memory_space<vmem>> -> memref<128x128xf32, #tpu.memory_space<vmem>>
          %dma_start3A_99 = arith.constant 0 : i32
          %dma_start3A_100 = tpu.memref_slice %arg8[%add3A_93, %dma_start3A_99] : memref<16x128xi32, #tpu.memory_space<vmem>> -> memref<1x128xi32, #tpu.memory_space<vmem>>
          %dma_start3A_101 = tpu.memref_squeeze %dma_start3A_100 : memref<1x128xi32, #tpu.memory_space<vmem>> -> memref<128xi32, #tpu.memory_space<vmem>>
          %dma_start3A_102 = arith.constant 0 : i32
          %dma_start3A_103 = arith.constant 0 : i32
          %dma_start3A_104 = tpu.memref_slice %arg4[%dma_start3A_102, %dma_start3A_103] : memref<10240x128xf32, #tpu.memory_space<hbm>> -> memref<10240x128xf32, #tpu.memory_space<hbm>>
          tpu.enqueue_indirect_dma source(%dma_start3A_104 : memref<10240x128xf32, #tpu.memory_space<hbm>>) target(%dma_start3A_98 : memref<128x128xf32, #tpu.memory_space<vmem>>) offsets(%dma_start3A_101 : memref<128xi32, #tpu.memory_space<vmem>>) semaphore(%arg11 : memref<!tpu.dma_semaphore, #tpu.memory_space<semaphore_mem>>)
        } else {
        }
        %add3A_76 = arith.constant 1 : i32
        %add3A_77 = arith.addi %add3A_48, %add3A_76 : i32
        %dma_wait3A_78 = arith.constant 1 : i32
        %dma_wait3A_79 = arith.constant 0 : i32
        %dma_wait3A_80 = arith.constant 0 : i32
        %dma_wait3A_81 = tpu.memref_slice %arg10[%dma_wait3A_78, %dma_wait3A_79, %dma_wait3A_80] : memref<2x128x128xf32, #tpu.memory_space<vmem>> -> memref<1x128x128xf32, #tpu.memory_space<vmem>>
        %dma_wait3A_82 = tpu.memref_squeeze %dma_wait3A_81 : memref<1x128x128xf32, #tpu.memory_space<vmem>> -> memref<128x128xf32, #tpu.memory_space<vmem>>
        %dma_wait3A_83 = arith.constant 0 : i32
        %dma_wait3A_84 = tpu.memref_slice %arg8[%add3A_77, %dma_wait3A_83] : memref<16x128xi32, #tpu.memory_space<vmem>> -> memref<1x128xi32, #tpu.memory_space<vmem>>
        %dma_wait3A_85 = tpu.memref_squeeze %dma_wait3A_84 : memref<1x128xi32, #tpu.memory_space<vmem>> -> memref<128xi32, #tpu.memory_space<vmem>>
        %dma_wait3A_86 = arith.constant 0 : i32
        %dma_wait3A_87 = arith.constant 0 : i32
        %dma_wait3A_88 = tpu.memref_slice %arg4[%dma_wait3A_86, %dma_wait3A_87] : memref<10240x128xf32, #tpu.memory_space<hbm>> -> memref<10240x128xf32, #tpu.memory_space<hbm>>
        tpu.wait_indirect_dma semaphore(%arg12 : memref<!tpu.dma_semaphore, #tpu.memory_space<semaphore_mem>>) src(%dma_wait3A_88 : memref<10240x128xf32, #tpu.memory_space<hbm>>) dst(%dma_wait3A_82 : memref<128x128xf32, #tpu.memory_space<vmem>>)
        %add3A_89 = arith.constant 1 : i32
        %add3A_90 = arith.addi %add3A_48, %add3A_89 : i32
        %run_scoped3A_91 = arith.constant 1 : i32
        "tpu.region"() ({
          %run_scoped3A_92 = tpu.sem_alloc : memref<!tpu.dma_semaphore, #tpu.memory_space<semaphore_mem>>
          %dma_start3A_93 = arith.constant 0 : i32
          %dma_start3A_94 = arith.constant 0 : i32
          %dma_start3A_95 = tpu.memref_slice %arg10[%run_scoped3A_91, %dma_start3A_93, %dma_start3A_94] : memref<2x128x128xf32, #tpu.memory_space<vmem>> -> memref<1x128x128xf32, #tpu.memory_space<vmem>>
          %dma_start3A_96 = tpu.memref_squeeze %dma_start3A_95 : memref<1x128x128xf32, #tpu.memory_space<vmem>> -> memref<128x128xf32, #tpu.memory_space<vmem>>
          %dma_start3A_97 = arith.constant 0 : i32
          %dma_start3A_98 = tpu.memref_slice %arg9[%add3A_90, %dma_start3A_97] : memref<16x128xi32, #tpu.memory_space<vmem>> -> memref<1x128xi32, #tpu.memory_space<vmem>>
          %dma_start3A_99 = tpu.memref_squeeze %dma_start3A_98 : memref<1x128xi32, #tpu.memory_space<vmem>> -> memref<128xi32, #tpu.memory_space<vmem>>
          %dma_start3A_100 = arith.constant 0 : i32
          %dma_start3A_101 = arith.constant 0 : i32
          %dma_start3A_102 = tpu.memref_slice %arg7[%dma_start3A_100, %dma_start3A_101] : memref<10240x128xf32, #tpu.memory_space<vmem_shared>> -> memref<10240x128xf32, #tpu.memory_space<vmem_shared>>
          tpu.enqueue_indirect_dma source(%dma_start3A_96 : memref<128x128xf32, #tpu.memory_space<vmem>>) target(%dma_start3A_102 : memref<10240x128xf32, #tpu.memory_space<vmem_shared>>) offsets(%dma_start3A_99 : memref<128xi32, #tpu.memory_space<vmem>>) semaphore(%run_scoped3A_92 : memref<!tpu.dma_semaphore, #tpu.memory_space<semaphore_mem>>) {add = true}
          %dma_wait3A_103 = arith.constant 0 : i32
          %dma_wait3A_104 = arith.constant 0 : i32
          %dma_wait3A_105 = tpu.memref_slice %arg10[%run_scoped3A_91, %dma_wait3A_103, %dma_wait3A_104] : memref<2x128x128xf32, #tpu.memory_space<vmem>> -> memref<1x128x128xf32, #tpu.memory_space<vmem>>
          %dma_wait3A_106 = tpu.memref_squeeze %dma_wait3A_105 : memref<1x128x128xf32, #tpu.memory_space<vmem>> -> memref<128x128xf32, #tpu.memory_space<vmem>>
          %dma_wait3A_107 = arith.constant 0 : i32
          %dma_wait3A_108 = tpu.memref_slice %arg9[%add3A_90, %dma_wait3A_107] : memref<16x128xi32, #tpu.memory_space<vmem>> -> memref<1x128xi32, #tpu.memory_space<vmem>>
          %dma_wait3A_109 = tpu.memref_squeeze %dma_wait3A_108 : memref<1x128xi32, #tpu.memory_space<vmem>> -> memref<128xi32, #tpu.memory_space<vmem>>
          %dma_wait3A_110 = arith.constant 0 : i32
          %dma_wait3A_111 = arith.constant 0 : i32
          %dma_wait3A_112 = tpu.memref_slice %arg7[%dma_wait3A_110, %dma_wait3A_111] : memref<10240x128xf32, #tpu.memory_space<vmem_shared>> -> memref<10240x128xf32, #tpu.memory_space<vmem_shared>>
          tpu.wait_indirect_dma semaphore(%run_scoped3A_92 : memref<!tpu.dma_semaphore, #tpu.memory_space<semaphore_mem>>) src(%dma_wait3A_106 : memref<128x128xf32, #tpu.memory_space<vmem>>) dst(%dma_wait3A_112 : memref<10240x128xf32, #tpu.memory_space<vmem_shared>>)
          tpu.yield
        }) : () -> ()
      }
      %scan3A_43 = arith.constant 8 : i32
    }
    %scan3A_8 = arith.constant 5 : i32
    %barrier3A_9 = arith.constant 0 : index
    tpu.barrier barrier_id(%barrier3A_9)
    %mul3A_10 = arith.constant 640 : i32
    %mul3A_11 = arith.muli %arg1, %mul3A_10 : i32
    %mul3A_12 = arith.constant 10240 : i32
    %mul3A_13 = arith.muli %arg0, %mul3A_12 : i32
    %mul3A_14 = arith.constant 640 : i32
    %mul3A_15 = arith.muli %arg1, %mul3A_14 : i32
    %add3A_16 = arith.addi %mul3A_13, %mul3A_15 : i32
    "tpu.region"() ({
      %run_scoped3A = tpu.sem_alloc : memref<!tpu.dma_semaphore, #tpu.memory_space<semaphore_mem>>
      %dma_start3A = arith.constant 0 : i32
      %dma_start3A_17 = tpu.memref_slice %arg6[%add3A_16, %dma_start3A] : memref<20480x128xf32, #tpu.memory_space<hbm>> -> memref<640x128xf32, #tpu.memory_space<hbm>>
      %dma_start3A_18 = arith.constant 0 : i32
      %dma_start3A_19 = tpu.memref_slice %arg7[%mul3A_11, %dma_start3A_18] : memref<10240x128xf32, #tpu.memory_space<vmem_shared>> -> memref<640x128xf32, #tpu.memory_space<vmem_shared>>
      tpu.enqueue_dma source(%dma_start3A_19 : memref<640x128xf32, #tpu.memory_space<vmem_shared>>) target(%dma_start3A_17 : memref<640x128xf32, #tpu.memory_space<hbm>>) target_semaphore(%run_scoped3A : memref<!tpu.dma_semaphore, #tpu.memory_space<semaphore_mem>>)
      %dma_wait3A = arith.constant 0 : i32
      %dma_wait3A_20 = tpu.memref_slice %arg6[%add3A_16, %dma_wait3A] : memref<20480x128xf32, #tpu.memory_space<hbm>> -> memref<640x128xf32, #tpu.memory_space<hbm>>
      %dma_wait3A_21 = arith.constant 0 : i32
      %dma_wait3A_22 = tpu.memref_slice %arg7[%mul3A_11, %dma_wait3A_21] : memref<10240x128xf32, #tpu.memory_space<vmem_shared>> -> memref<640x128xf32, #tpu.memory_space<vmem_shared>>
      tpu.wait_dma2 semaphore(%run_scoped3A : memref<!tpu.dma_semaphore, #tpu.memory_space<semaphore_mem>>) src(%dma_wait3A_22 : memref<640x128xf32, #tpu.memory_space<vmem_shared>>) dst(%dma_wait3A_20 : memref<640x128xf32, #tpu.memory_space<hbm>>)
      tpu.yield
    }) : () -> ()
    return
  }
}

#map = affine_map<(d0, d1) -> (0, 0)>
module attributes {stable_mosaic.version = 14 : i64} {
  func.func @agg_kernel(%arg0: i32, %arg1: i32, %arg2: memref<2560x128xi32, #tpu.memory_space<hbm>>, %arg3: memref<2560x128xi32, #tpu.memory_space<hbm>>, %arg4: memref<10240x128xf32, #tpu.memory_space<hbm>>, %arg5: memref<640x128xf32, #tpu.memory_space<hbm>>, %arg6: memref<20480x128xf32, #tpu.memory_space<hbm>>, %arg7: memref<10240x128xf32, #tpu.memory_space<vmem_shared>>, %arg8: memref<16x128xi32, #tpu.memory_space<vmem>>, %arg9: memref<16x128xi32, #tpu.memory_space<vmem>>, %arg10: memref<2x128x128xf32, #tpu.memory_space<vmem>>, %arg11: memref<!tpu.dma_semaphore, #tpu.memory_space<semaphore_mem>>, %arg12: memref<!tpu.dma_semaphore, #tpu.memory_space<semaphore_mem>>) attributes {dimension_semantics = [#tpu.dimension_semantics<core_parallel>, #tpu.dimension_semantics<subcore_parallel>], iteration_bounds = array<i64: 2, 16>, scalar_prefetch = 0 : i64, scratch_operands = 6 : i64, tpu.core_type = #tpu.core_type<sc_vector_subcore>, window_params = [{transform_indices = #map}, {transform_indices = #map}, {transform_indices = #map}, {transform_indices = #map}, {transform_indices = #map}]} {
    %mul3A = arith.constant 16 : i32
    %mul3A_0 = arith.muli %arg0, %mul3A : i32
    %add3A = arith.addi %mul3A_0, %arg1 : i32
    %mul3A_1 = arith.constant 80 : i32
    %mul3A_2 = arith.muli %add3A, %mul3A_1 : i32
    %mul3A_3 = arith.constant 640 : i32
    %mul3A_4 = arith.muli %arg1, %mul3A_3 : i32
    "tpu.region"() ({
      %run_scoped3A = tpu.sem_alloc : memref<!tpu.dma_semaphore, #tpu.memory_space<semaphore_mem>>
      %dma_start3A = arith.constant 0 : i32
      %dma_start3A_17 = tpu.memref_slice %arg7[%mul3A_4, %dma_start3A] : memref<10240x128xf32, #tpu.memory_space<vmem_shared>> -> memref<640x128xf32, #tpu.memory_space<vmem_shared>>
      tpu.enqueue_dma source(%arg5 : memref<640x128xf32, #tpu.memory_space<hbm>>) target(%dma_start3A_17 : memref<640x128xf32, #tpu.memory_space<vmem_shared>>) target_semaphore(%run_scoped3A : memref<!tpu.dma_semaphore, #tpu.memory_space<semaphore_mem>>)
      %dma_wait3A = arith.constant 0 : i32
      %dma_wait3A_18 = tpu.memref_slice %arg7[%mul3A_4, %dma_wait3A] : memref<10240x128xf32, #tpu.memory_space<vmem_shared>> -> memref<640x128xf32, #tpu.memory_space<vmem_shared>>
      tpu.wait_dma2 semaphore(%run_scoped3A : memref<!tpu.dma_semaphore, #tpu.memory_space<semaphore_mem>>) src(%arg5 : memref<640x128xf32, #tpu.memory_space<hbm>>) dst(%dma_wait3A_18 : memref<640x128xf32, #tpu.memory_space<vmem_shared>>)
      tpu.yield
    }) : () -> ()
    %barrier3A = arith.constant 0 : index
    tpu.barrier barrier_id(%barrier3A)
    %scan3A = arith.constant 0 : i32
    %scan3A_5 = arith.constant 5 : i32
    %scan3A_6 = arith.addi %scan3A, %scan3A_5 : i32
    %scan3A_7 = arith.constant 1 : i32
    scf.for %scan3A_17 = %scan3A to %scan3A_6 step %scan3A_7  : i32 {
      %mul3A_18 = arith.constant 1 : i32
      %mul3A_19 = arith.muli %scan3A_17, %mul3A_18 : i32
      %add3A_20 = arith.constant 0 : i32
      %add3A_21 = arith.addi %add3A_20, %mul3A_19 : i32
      %mul3A_22 = arith.constant 16 : i32
      %mul3A_23 = arith.muli %add3A_21, %mul3A_22 : i32
      %add3A_24 = arith.addi %mul3A_2, %mul3A_23 : i32
      "tpu.region"() ({
        %run_scoped3A = tpu.sem_alloc : memref<!tpu.dma_semaphore, #tpu.memory_space<semaphore_mem>>
        %dma_start3A_44 = arith.constant 0 : i32
        %dma_start3A_45 = tpu.memref_slice %arg2[%add3A_24, %dma_start3A_44] : memref<2560x128xi32, #tpu.memory_space<hbm>> -> memref<16x128xi32, #tpu.memory_space<hbm>>
        %dma_start3A_46 = arith.constant 0 : i32
        %dma_start3A_47 = tpu.memref_slice %arg2[%add3A_24, %dma_start3A_46] : memref<2560x128xi32, #tpu.memory_space<hbm>> -> memref<16x128xi32, #tpu.memory_space<hbm>>
        tpu.enqueue_dma source(%dma_start3A_47 : memref<16x128xi32, #tpu.memory_space<hbm>>) target(%arg8 : memref<16x128xi32, #tpu.memory_space<vmem>>) target_semaphore(%run_scoped3A : memref<!tpu.dma_semaphore, #tpu.memory_space<semaphore_mem>>)
        %dma_wait3A = arith.constant 0 : i32
        %dma_wait3A_48 = tpu.memref_slice %arg2[%add3A_24, %dma_wait3A] : memref<2560x128xi32, #tpu.memory_space<hbm>> -> memref<16x128xi32, #tpu.memory_space<hbm>>
        %dma_wait3A_49 = arith.constant 0 : i32
        %dma_wait3A_50 = tpu.memref_slice %arg2[%add3A_24, %dma_wait3A_49] : memref<2560x128xi32, #tpu.memory_space<hbm>> -> memref<16x128xi32, #tpu.memory_space<hbm>>
        tpu.wait_dma2 semaphore(%run_scoped3A : memref<!tpu.dma_semaphore, #tpu.memory_space<semaphore_mem>>) src(%dma_wait3A_50 : memref<16x128xi32, #tpu.memory_space<hbm>>) dst(%arg8 : memref<16x128xi32, #tpu.memory_space<vmem>>)
        tpu.yield
      }) : () -> ()
      %mul3A_25 = arith.constant 16 : i32
      %mul3A_26 = arith.muli %add3A_21, %mul3A_25 : i32
      %add3A_27 = arith.addi %mul3A_2, %mul3A_26 : i32
      "tpu.region"() ({
        %run_scoped3A = tpu.sem_alloc : memref<!tpu.dma_semaphore, #tpu.memory_space<semaphore_mem>>
        %dma_start3A_44 = arith.constant 0 : i32
        %dma_start3A_45 = tpu.memref_slice %arg3[%add3A_27, %dma_start3A_44] : memref<2560x128xi32, #tpu.memory_space<hbm>> -> memref<16x128xi32, #tpu.memory_space<hbm>>
        %dma_start3A_46 = arith.constant 0 : i32
        %dma_start3A_47 = tpu.memref_slice %arg3[%add3A_27, %dma_start3A_46] : memref<2560x128xi32, #tpu.memory_space<hbm>> -> memref<16x128xi32, #tpu.memory_space<hbm>>
        tpu.enqueue_dma source(%dma_start3A_47 : memref<16x128xi32, #tpu.memory_space<hbm>>) target(%arg9 : memref<16x128xi32, #tpu.memory_space<vmem>>) target_semaphore(%run_scoped3A : memref<!tpu.dma_semaphore, #tpu.memory_space<semaphore_mem>>)
        %dma_wait3A = arith.constant 0 : i32
        %dma_wait3A_48 = tpu.memref_slice %arg3[%add3A_27, %dma_wait3A] : memref<2560x128xi32, #tpu.memory_space<hbm>> -> memref<16x128xi32, #tpu.memory_space<hbm>>
        %dma_wait3A_49 = arith.constant 0 : i32
        %dma_wait3A_50 = tpu.memref_slice %arg3[%add3A_27, %dma_wait3A_49] : memref<2560x128xi32, #tpu.memory_space<hbm>> -> memref<16x128xi32, #tpu.memory_space<hbm>>
        tpu.wait_dma2 semaphore(%run_scoped3A : memref<!tpu.dma_semaphore, #tpu.memory_space<semaphore_mem>>) src(%dma_wait3A_50 : memref<16x128xi32, #tpu.memory_space<hbm>>) dst(%arg9 : memref<16x128xi32, #tpu.memory_space<vmem>>)
        tpu.yield
      }) : () -> ()
      %dma_start3A = arith.constant 0 : i32
      %dma_start3A_28 = arith.constant 0 : i32
      %dma_start3A_29 = arith.constant 0 : i32
      %dma_start3A_30 = arith.constant 0 : i32
      %dma_start3A_31 = tpu.memref_slice %arg10[%dma_start3A_28, %dma_start3A_29, %dma_start3A_30] : memref<2x128x128xf32, #tpu.memory_space<vmem>> -> memref<1x128x128xf32, #tpu.memory_space<vmem>>
      %dma_start3A_32 = tpu.memref_squeeze %dma_start3A_31 : memref<1x128x128xf32, #tpu.memory_space<vmem>> -> memref<128x128xf32, #tpu.memory_space<vmem>>
      %dma_start3A_33 = arith.constant 0 : i32
      %dma_start3A_34 = tpu.memref_slice %arg8[%dma_start3A, %dma_start3A_33] : memref<16x128xi32, #tpu.memory_space<vmem>> -> memref<1x128xi32, #tpu.memory_space<vmem>>
      %dma_start3A_35 = tpu.memref_squeeze %dma_start3A_34 : memref<1x128xi32, #tpu.memory_space<vmem>> -> memref<128xi32, #tpu.memory_space<vmem>>
      %dma_start3A_36 = arith.constant 0 : i32
      %dma_start3A_37 = arith.constant 0 : i32
      %dma_start3A_38 = tpu.memref_slice %arg4[%dma_start3A_36, %dma_start3A_37] : memref<10240x128xf32, #tpu.memory_space<hbm>> -> memref<10240x128xf32, #tpu.memory_space<hbm>>
      tpu.enqueue_indirect_dma source(%dma_start3A_38 : memref<10240x128xf32, #tpu.memory_space<hbm>>) target(%dma_start3A_32 : memref<128x128xf32, #tpu.memory_space<vmem>>) offsets(%dma_start3A_35 : memref<128xi32, #tpu.memory_space<vmem>>) semaphore(%arg11 : memref<!tpu.dma_semaphore, #tpu.memory_space<semaphore_mem>>)
      %scan3A_39 = arith.constant 0 : i32
      %scan3A_40 = arith.constant 8 : i32
      %scan3A_41 = arith.addi %scan3A_39, %scan3A_40 : i32
      %scan3A_42 = arith.constant 1 : i32
      scf.for %scan3A_44 = %scan3A_39 to %scan3A_41 step %scan3A_42  : i32 {
        %mul3A_45 = arith.constant 2 : i32
        %mul3A_46 = arith.muli %scan3A_44, %mul3A_45 : i32
        %add3A_47 = arith.constant 0 : i32
        %add3A_48 = arith.addi %add3A_47, %mul3A_46 : i32
        %add3A_49 = arith.constant 1 : i32
        %add3A_50 = arith.addi %add3A_48, %add3A_49 : i32
        %dma_start3A_51 = arith.constant 1 : i32
        %dma_start3A_52 = arith.constant 0 : i32
        %dma_start3A_53 = arith.constant 0 : i32
        %dma_start3A_54 = tpu.memref_slice %arg10[%dma_start3A_51, %dma_start3A_52, %dma_start3A_53] : memref<2x128x128xf32, #tpu.memory_space<vmem>> -> memref<1x128x128xf32, #tpu.memory_space<vmem>>
        %dma_start3A_55 = tpu.memref_squeeze %dma_start3A_54 : memref<1x128x128xf32, #tpu.memory_space<vmem>> -> memref<128x128xf32, #tpu.memory_space<vmem>>
        %dma_start3A_56 = arith.constant 0 : i32
        %dma_start3A_57 = tpu.memref_slice %arg8[%add3A_50, %dma_start3A_56] : memref<16x128xi32, #tpu.memory_space<vmem>> -> memref<1x128xi32, #tpu.memory_space<vmem>>
        %dma_start3A_58 = tpu.memref_squeeze %dma_start3A_57 : memref<1x128xi32, #tpu.memory_space<vmem>> -> memref<128xi32, #tpu.memory_space<vmem>>
        %dma_start3A_59 = arith.constant 0 : i32
        %dma_start3A_60 = arith.constant 0 : i32
        %dma_start3A_61 = tpu.memref_slice %arg4[%dma_start3A_59, %dma_start3A_60] : memref<10240x128xf32, #tpu.memory_space<hbm>> -> memref<10240x128xf32, #tpu.memory_space<hbm>>
        tpu.enqueue_indirect_dma source(%dma_start3A_61 : memref<10240x128xf32, #tpu.memory_space<hbm>>) target(%dma_start3A_55 : memref<128x128xf32, #tpu.memory_space<vmem>>) offsets(%dma_start3A_58 : memref<128xi32, #tpu.memory_space<vmem>>) semaphore(%arg12 : memref<!tpu.dma_semaphore, #tpu.memory_space<semaphore_mem>>)
        %dma_wait3A = arith.constant 0 : i32
        %dma_wait3A_62 = arith.constant 0 : i32
        %dma_wait3A_63 = arith.constant 0 : i32
        %dma_wait3A_64 = tpu.memref_slice %arg10[%dma_wait3A, %dma_wait3A_62, %dma_wait3A_63] : memref<2x128x128xf32, #tpu.memory_space<vmem>> -> memref<1x128x128xf32, #tpu.memory_space<vmem>>
        %dma_wait3A_65 = tpu.memref_squeeze %dma_wait3A_64 : memref<1x128x128xf32, #tpu.memory_space<vmem>> -> memref<128x128xf32, #tpu.memory_space<vmem>>
        %dma_wait3A_66 = arith.constant 0 : i32
        %dma_wait3A_67 = tpu.memref_slice %arg8[%add3A_48, %dma_wait3A_66] : memref<16x128xi32, #tpu.memory_space<vmem>> -> memref<1x128xi32, #tpu.memory_space<vmem>>
        %dma_wait3A_68 = tpu.memref_squeeze %dma_wait3A_67 : memref<1x128xi32, #tpu.memory_space<vmem>> -> memref<128xi32, #tpu.memory_space<vmem>>
        %dma_wait3A_69 = arith.constant 0 : i32
        %dma_wait3A_70 = arith.constant 0 : i32
        %dma_wait3A_71 = tpu.memref_slice %arg4[%dma_wait3A_69, %dma_wait3A_70] : memref<10240x128xf32, #tpu.memory_space<hbm>> -> memref<10240x128xf32, #tpu.memory_space<hbm>>
        tpu.wait_indirect_dma semaphore(%arg11 : memref<!tpu.dma_semaphore, #tpu.memory_space<semaphore_mem>>) src(%dma_wait3A_71 : memref<10240x128xf32, #tpu.memory_space<hbm>>) dst(%dma_wait3A_65 : memref<128x128xf32, #tpu.memory_space<vmem>>)
        %run_scoped3A = arith.constant 0 : i32
        "tpu.region"() ({
          %run_scoped3A_92 = tpu.sem_alloc : memref<!tpu.dma_semaphore, #tpu.memory_space<semaphore_mem>>
          %dma_start3A_93 = arith.constant 0 : i32
          %dma_start3A_94 = arith.constant 0 : i32
          %dma_start3A_95 = tpu.memref_slice %arg10[%run_scoped3A, %dma_start3A_93, %dma_start3A_94] : memref<2x128x128xf32, #tpu.memory_space<vmem>> -> memref<1x128x128xf32, #tpu.memory_space<vmem>>
          %dma_start3A_96 = tpu.memref_squeeze %dma_start3A_95 : memref<1x128x128xf32, #tpu.memory_space<vmem>> -> memref<128x128xf32, #tpu.memory_space<vmem>>
          %dma_start3A_97 = arith.constant 0 : i32
          %dma_start3A_98 = tpu.memref_slice %arg9[%add3A_48, %dma_start3A_97] : memref<16x128xi32, #tpu.memory_space<vmem>> -> memref<1x128xi32, #tpu.memory_space<vmem>>
          %dma_start3A_99 = tpu.memref_squeeze %dma_start3A_98 : memref<1x128xi32, #tpu.memory_space<vmem>> -> memref<128xi32, #tpu.memory_space<vmem>>
          %dma_start3A_100 = arith.constant 0 : i32
          %dma_start3A_101 = arith.constant 0 : i32
          %dma_start3A_102 = tpu.memref_slice %arg7[%dma_start3A_100, %dma_start3A_101] : memref<10240x128xf32, #tpu.memory_space<vmem_shared>> -> memref<10240x128xf32, #tpu.memory_space<vmem_shared>>
          tpu.enqueue_indirect_dma source(%dma_start3A_96 : memref<128x128xf32, #tpu.memory_space<vmem>>) target(%dma_start3A_102 : memref<10240x128xf32, #tpu.memory_space<vmem_shared>>) offsets(%dma_start3A_99 : memref<128xi32, #tpu.memory_space<vmem>>) semaphore(%run_scoped3A_92 : memref<!tpu.dma_semaphore, #tpu.memory_space<semaphore_mem>>) {add = true}
          %dma_wait3A_103 = arith.constant 0 : i32
          %dma_wait3A_104 = arith.constant 0 : i32
          %dma_wait3A_105 = tpu.memref_slice %arg10[%run_scoped3A, %dma_wait3A_103, %dma_wait3A_104] : memref<2x128x128xf32, #tpu.memory_space<vmem>> -> memref<1x128x128xf32, #tpu.memory_space<vmem>>
          %dma_wait3A_106 = tpu.memref_squeeze %dma_wait3A_105 : memref<1x128x128xf32, #tpu.memory_space<vmem>> -> memref<128x128xf32, #tpu.memory_space<vmem>>
          %dma_wait3A_107 = arith.constant 0 : i32
          %dma_wait3A_108 = tpu.memref_slice %arg9[%add3A_48, %dma_wait3A_107] : memref<16x128xi32, #tpu.memory_space<vmem>> -> memref<1x128xi32, #tpu.memory_space<vmem>>
          %dma_wait3A_109 = tpu.memref_squeeze %dma_wait3A_108 : memref<1x128xi32, #tpu.memory_space<vmem>> -> memref<128xi32, #tpu.memory_space<vmem>>
          %dma_wait3A_110 = arith.constant 0 : i32
          %dma_wait3A_111 = arith.constant 0 : i32
          %dma_wait3A_112 = tpu.memref_slice %arg7[%dma_wait3A_110, %dma_wait3A_111] : memref<10240x128xf32, #tpu.memory_space<vmem_shared>> -> memref<10240x128xf32, #tpu.memory_space<vmem_shared>>
          tpu.wait_indirect_dma semaphore(%run_scoped3A_92 : memref<!tpu.dma_semaphore, #tpu.memory_space<semaphore_mem>>) src(%dma_wait3A_106 : memref<128x128xf32, #tpu.memory_space<vmem>>) dst(%dma_wait3A_112 : memref<10240x128xf32, #tpu.memory_space<vmem_shared>>)
          tpu.yield
        }) : () -> ()
        %add3A_72 = arith.constant 2 : i32
        %add3A_73 = arith.addi %add3A_48, %add3A_72 : i32
        %lt3A = arith.constant 16 : i32
        %lt3A_74 = arith.cmpi slt, %add3A_73, %lt3A : i32
        %convert_element_type3A = arith.extui %lt3A_74 : i1 to i32
        %cond3A = arith.constant 0 : i32
        %cond3A_75 = arith.cmpi ne, %convert_element_type3A, %cond3A : i32
        scf.if %cond3A_75 {
          %add3A_92 = arith.constant 2 : i32
          %add3A_93 = arith.addi %add3A_48, %add3A_92 : i32
          %dma_start3A_94 = arith.constant 0 : i32
          %dma_start3A_95 = arith.constant 0 : i32
          %dma_start3A_96 = arith.constant 0 : i32
          %dma_start3A_97 = tpu.memref_slice %arg10[%dma_start3A_94, %dma_start3A_95, %dma_start3A_96] : memref<2x128x128xf32, #tpu.memory_space<vmem>> -> memref<1x128x128xf32, #tpu.memory_space<vmem>>
          %dma_start3A_98 = tpu.memref_squeeze %dma_start3A_97 : memref<1x128x128xf32, #tpu.memory_space<vmem>> -> memref<128x128xf32, #tpu.memory_space<vmem>>
          %dma_start3A_99 = arith.constant 0 : i32
          %dma_start3A_100 = tpu.memref_slice %arg8[%add3A_93, %dma_start3A_99] : memref<16x128xi32, #tpu.memory_space<vmem>> -> memref<1x128xi32, #tpu.memory_space<vmem>>
          %dma_start3A_101 = tpu.memref_squeeze %dma_start3A_100 : memref<1x128xi32, #tpu.memory_space<vmem>> -> memref<128xi32, #tpu.memory_space<vmem>>
          %dma_start3A_102 = arith.constant 0 : i32
          %dma_start3A_103 = arith.constant 0 : i32
          %dma_start3A_104 = tpu.memref_slice %arg4[%dma_start3A_102, %dma_start3A_103] : memref<10240x128xf32, #tpu.memory_space<hbm>> -> memref<10240x128xf32, #tpu.memory_space<hbm>>
          tpu.enqueue_indirect_dma source(%dma_start3A_104 : memref<10240x128xf32, #tpu.memory_space<hbm>>) target(%dma_start3A_98 : memref<128x128xf32, #tpu.memory_space<vmem>>) offsets(%dma_start3A_101 : memref<128xi32, #tpu.memory_space<vmem>>) semaphore(%arg11 : memref<!tpu.dma_semaphore, #tpu.memory_space<semaphore_mem>>)
        } else {
        }
        %add3A_76 = arith.constant 1 : i32
        %add3A_77 = arith.addi %add3A_48, %add3A_76 : i32
        %dma_wait3A_78 = arith.constant 1 : i32
        %dma_wait3A_79 = arith.constant 0 : i32
        %dma_wait3A_80 = arith.constant 0 : i32
        %dma_wait3A_81 = tpu.memref_slice %arg10[%dma_wait3A_78, %dma_wait3A_79, %dma_wait3A_80] : memref<2x128x128xf32, #tpu.memory_space<vmem>> -> memref<1x128x128xf32, #tpu.memory_space<vmem>>
        %dma_wait3A_82 = tpu.memref_squeeze %dma_wait3A_81 : memref<1x128x128xf32, #tpu.memory_space<vmem>> -> memref<128x128xf32, #tpu.memory_space<vmem>>
        %dma_wait3A_83 = arith.constant 0 : i32
        %dma_wait3A_84 = tpu.memref_slice %arg8[%add3A_77, %dma_wait3A_83] : memref<16x128xi32, #tpu.memory_space<vmem>> -> memref<1x128xi32, #tpu.memory_space<vmem>>
        %dma_wait3A_85 = tpu.memref_squeeze %dma_wait3A_84 : memref<1x128xi32, #tpu.memory_space<vmem>> -> memref<128xi32, #tpu.memory_space<vmem>>
        %dma_wait3A_86 = arith.constant 0 : i32
        %dma_wait3A_87 = arith.constant 0 : i32
        %dma_wait3A_88 = tpu.memref_slice %arg4[%dma_wait3A_86, %dma_wait3A_87] : memref<10240x128xf32, #tpu.memory_space<hbm>> -> memref<10240x128xf32, #tpu.memory_space<hbm>>
        tpu.wait_indirect_dma semaphore(%arg12 : memref<!tpu.dma_semaphore, #tpu.memory_space<semaphore_mem>>) src(%dma_wait3A_88 : memref<10240x128xf32, #tpu.memory_space<hbm>>) dst(%dma_wait3A_82 : memref<128x128xf32, #tpu.memory_space<vmem>>)
        %add3A_89 = arith.constant 1 : i32
        %add3A_90 = arith.addi %add3A_48, %add3A_89 : i32
        %run_scoped3A_91 = arith.constant 1 : i32
        "tpu.region"() ({
          %run_scoped3A_92 = tpu.sem_alloc : memref<!tpu.dma_semaphore, #tpu.memory_space<semaphore_mem>>
          %dma_start3A_93 = arith.constant 0 : i32
          %dma_start3A_94 = arith.constant 0 : i32
          %dma_start3A_95 = tpu.memref_slice %arg10[%run_scoped3A_91, %dma_start3A_93, %dma_start3A_94] : memref<2x128x128xf32, #tpu.memory_space<vmem>> -> memref<1x128x128xf32, #tpu.memory_space<vmem>>
          %dma_start3A_96 = tpu.memref_squeeze %dma_start3A_95 : memref<1x128x128xf32, #tpu.memory_space<vmem>> -> memref<128x128xf32, #tpu.memory_space<vmem>>
          %dma_start3A_97 = arith.constant 0 : i32
          %dma_start3A_98 = tpu.memref_slice %arg9[%add3A_90, %dma_start3A_97] : memref<16x128xi32, #tpu.memory_space<vmem>> -> memref<1x128xi32, #tpu.memory_space<vmem>>
          %dma_start3A_99 = tpu.memref_squeeze %dma_start3A_98 : memref<1x128xi32, #tpu.memory_space<vmem>> -> memref<128xi32, #tpu.memory_space<vmem>>
          %dma_start3A_100 = arith.constant 0 : i32
          %dma_start3A_101 = arith.constant 0 : i32
          %dma_start3A_102 = tpu.memref_slice %arg7[%dma_start3A_100, %dma_start3A_101] : memref<10240x128xf32, #tpu.memory_space<vmem_shared>> -> memref<10240x128xf32, #tpu.memory_space<vmem_shared>>
          tpu.enqueue_indirect_dma source(%dma_start3A_96 : memref<128x128xf32, #tpu.memory_space<vmem>>) target(%dma_start3A_102 : memref<10240x128xf32, #tpu.memory_space<vmem_shared>>) offsets(%dma_start3A_99 : memref<128xi32, #tpu.memory_space<vmem>>) semaphore(%run_scoped3A_92 : memref<!tpu.dma_semaphore, #tpu.memory_space<semaphore_mem>>) {add = true}
          %dma_wait3A_103 = arith.constant 0 : i32
          %dma_wait3A_104 = arith.constant 0 : i32
          %dma_wait3A_105 = tpu.memref_slice %arg10[%run_scoped3A_91, %dma_wait3A_103, %dma_wait3A_104] : memref<2x128x128xf32, #tpu.memory_space<vmem>> -> memref<1x128x128xf32, #tpu.memory_space<vmem>>
          %dma_wait3A_106 = tpu.memref_squeeze %dma_wait3A_105 : memref<1x128x128xf32, #tpu.memory_space<vmem>> -> memref<128x128xf32, #tpu.memory_space<vmem>>
          %dma_wait3A_107 = arith.constant 0 : i32
          %dma_wait3A_108 = tpu.memref_slice %arg9[%add3A_90, %dma_wait3A_107] : memref<16x128xi32, #tpu.memory_space<vmem>> -> memref<1x128xi32, #tpu.memory_space<vmem>>
          %dma_wait3A_109 = tpu.memref_squeeze %dma_wait3A_108 : memref<1x128xi32, #tpu.memory_space<vmem>> -> memref<128xi32, #tpu.memory_space<vmem>>
          %dma_wait3A_110 = arith.constant 0 : i32
          %dma_wait3A_111 = arith.constant 0 : i32
          %dma_wait3A_112 = tpu.memref_slice %arg7[%dma_wait3A_110, %dma_wait3A_111] : memref<10240x128xf32, #tpu.memory_space<vmem_shared>> -> memref<10240x128xf32, #tpu.memory_space<vmem_shared>>
          tpu.wait_indirect_dma semaphore(%run_scoped3A_92 : memref<!tpu.dma_semaphore, #tpu.memory_space<semaphore_mem>>) src(%dma_wait3A_106 : memref<128x128xf32, #tpu.memory_space<vmem>>) dst(%dma_wait3A_112 : memref<10240x128xf32, #tpu.memory_space<vmem_shared>>)
          tpu.yield
        }) : () -> ()
      }
      %scan3A_43 = arith.constant 8 : i32
    }
    %scan3A_8 = arith.constant 5 : i32
    %barrier3A_9 = arith.constant 0 : index
    tpu.barrier barrier_id(%barrier3A_9)
    %mul3A_10 = arith.constant 640 : i32
    %mul3A_11 = arith.muli %arg1, %mul3A_10 : i32
    %mul3A_12 = arith.constant 10240 : i32
    %mul3A_13 = arith.muli %arg0, %mul3A_12 : i32
    %mul3A_14 = arith.constant 640 : i32
    %mul3A_15 = arith.muli %arg1, %mul3A_14 : i32
    %add3A_16 = arith.addi %mul3A_13, %mul3A_15 : i32
    "tpu.region"() ({
      %run_scoped3A = tpu.sem_alloc : memref<!tpu.dma_semaphore, #tpu.memory_space<semaphore_mem>>
      %dma_start3A = arith.constant 0 : i32
      %dma_start3A_17 = tpu.memref_slice %arg6[%add3A_16, %dma_start3A] : memref<20480x128xf32, #tpu.memory_space<hbm>> -> memref<640x128xf32, #tpu.memory_space<hbm>>
      %dma_start3A_18 = arith.constant 0 : i32
      %dma_start3A_19 = tpu.memref_slice %arg7[%mul3A_11, %dma_start3A_18] : memref<10240x128xf32, #tpu.memory_space<vmem_shared>> -> memref<640x128xf32, #tpu.memory_space<vmem_shared>>
      tpu.enqueue_dma source(%dma_start3A_19 : memref<640x128xf32, #tpu.memory_space<vmem_shared>>) target(%dma_start3A_17 : memref<640x128xf32, #tpu.memory_space<hbm>>) target_semaphore(%run_scoped3A : memref<!tpu.dma_semaphore, #tpu.memory_space<semaphore_mem>>)
      %dma_wait3A = arith.constant 0 : i32
      %dma_wait3A_20 = tpu.memref_slice %arg6[%add3A_16, %dma_wait3A] : memref<20480x128xf32, #tpu.memory_space<hbm>> -> memref<640x128xf32, #tpu.memory_space<hbm>>
      %dma_wait3A_21 = arith.constant 0 : i32
      %dma_wait3A_22 = tpu.memref_slice %arg7[%mul3A_11, %dma_wait3A_21] : memref<10240x128xf32, #tpu.memory_space<vmem_shared>> -> memref<640x128xf32, #tpu.memory_space<vmem_shared>>
      tpu.wait_dma2 semaphore(%run_scoped3A : memref<!tpu.dma_semaphore, #tpu.memory_space<semaphore_mem>>) src(%dma_wait3A_22 : memref<640x128xf32, #tpu.memory_space<vmem_shared>>) dst(%dma_wait3A_20 : memref<640x128xf32, #tpu.memory_space<hbm>>)
      tpu.yield
    }) : () -> ()
    return
  }
}

module attributes {stable_mosaic.version = 14 : i64} {
  func.func @_scale_body(%arg0: i32, %arg1: memref<2x1024x1xf32, #tpu.memory_space<vmem>>, %arg2: memref<1024x128xf32, #tpu.memory_space<vmem>>, %arg3: memref<1024x128xf32, #tpu.memory_space<vmem>>, %arg4: memref<1024x1xf32, #tpu.memory_space<vmem>>) attributes {dimension_semantics = [#tpu.dimension_semantics<arbitrary>], iteration_bounds = array<i64: 10>, scalar_prefetch = 0 : i64, scratch_operands = 0 : i64, tpu.core_type = #tpu.core_type<tc>, window_params = [{transform_indices = @transform_0, window_bounds = array<i64: 2, 1024, 1>}, {transform_indices = @transform_1, window_bounds = array<i64: 1024, 128>}, {transform_indices = @transform_2, window_bounds = array<i64: 1024, 128>}, {transform_indices = @transform_3, window_bounds = array<i64: 1024, 1>}]} {
    %get3A = arith.constant 0 : index
    %get3A_0 = arith.constant 0 : index
    %get3A_1 = arith.constant 0 : index
    %get3A_2 = vector.load %arg1[%get3A, %get3A_0, %get3A_1] : memref<2x1024x1xf32, #tpu.memory_space<vmem>>, vector<1x1024x1xf32>
    %get3A_3 = vector.shape_cast %get3A_2 : vector<1x1024x1xf32> to vector<1024x1xf32>
    %get3A_4 = arith.constant 1 : index
    %get3A_5 = arith.constant 0 : index
    %get3A_6 = arith.constant 0 : index
    %get3A_7 = vector.load %arg1[%get3A_4, %get3A_5, %get3A_6] : memref<2x1024x1xf32, #tpu.memory_space<vmem>>, vector<1x1024x1xf32>
    %get3A_8 = vector.shape_cast %get3A_7 : vector<1x1024x1xf32> to vector<1024x1xf32>
    %add3A = arith.addf %get3A_3, %get3A_8 : vector<1024x1xf32>
    %add3A_9 = arith.constant 1.000000e+00 : f32
    %add3A_10 = vector.broadcast %add3A_9 : f32 to vector<1024x1xf32>
    %add3A_11 = arith.addf %add3A, %add3A_10 : vector<1024x1xf32>
    %rsqrt3A = math.rsqrt %add3A_11 : vector<1024x1xf32>
    %swap3A = arith.constant 0 : index
    %swap3A_12 = arith.constant 0 : index
    %swap3A_13 = vector.load %arg4[%swap3A, %swap3A_12] : memref<1024x1xf32, #tpu.memory_space<vmem>>, vector<1024x1xf32>
    tpu.vector_store %arg4[%swap3A, %swap3A_12], %rsqrt3A {strides = array<i32>} : memref<1024x1xf32, #tpu.memory_space<vmem>>, vector<1024x1xf32>,
    %get3A_14 = arith.constant 0 : index
    %get3A_15 = arith.constant 0 : index
    %get3A_16 = vector.load %arg2[%get3A_14, %get3A_15] : memref<1024x128xf32, #tpu.memory_space<vmem>>, vector<1024x128xf32>
    %mul3A = vector.broadcast %rsqrt3A : vector<1024x1xf32> to vector<1024x128xf32>
    %mul3A_17 = arith.mulf %mul3A, %get3A_16 : vector<1024x128xf32>
    %swap3A_18 = arith.constant 0 : index
    %swap3A_19 = arith.constant 0 : index
    %swap3A_20 = vector.load %arg3[%swap3A_18, %swap3A_19] : memref<1024x128xf32, #tpu.memory_space<vmem>>, vector<1024x128xf32>
    tpu.vector_store %arg3[%swap3A_18, %swap3A_19], %mul3A_17 {strides = array<i32>} : memref<1024x128xf32, #tpu.memory_space<vmem>>, vector<1024x128xf32>,
    return
  }
  func.func @transform_0(%arg0: i32) -> (i32, i32, i32) {
    %c0_i32 = arith.constant 0 : i32
    %c0_i32_0 = arith.constant 0 : i32
    %c0_i32_1 = arith.constant 0 : i32
    return %c0_i32, %arg0, %c0_i32_0 : i32, i32, i32
  }
  func.func @transform_1(%arg0: i32) -> (i32, i32) {
    %c0_i32 = arith.constant 0 : i32
    %c0_i32_0 = arith.constant 0 : i32
    return %arg0, %c0_i32 : i32, i32
  }
  func.func @transform_2(%arg0: i32) -> (i32, i32) {
    %c0_i32 = arith.constant 0 : i32
    %c0_i32_0 = arith.constant 0 : i32
    return %arg0, %c0_i32 : i32, i32
  }
  func.func @transform_3(%arg0: i32) -> (i32, i32) {
    %c0_i32 = arith.constant 0 : i32
    %c0_i32_0 = arith.constant 0 : i32
    return %arg0, %c0_i32 : i32, i32
  }
}

module attributes {stable_mosaic.version = 14 : i64} {
  func.func @_dense_body(%arg0: i32, %arg1: memref<2x1024x128xf32, #tpu.memory_space<vmem>>, %arg2: memref<1024x128xf32, #tpu.memory_space<vmem>>, %arg3: memref<1024x1xf32, #tpu.memory_space<vmem>>, %arg4: memref<128x256xf32, #tpu.memory_space<vmem>>, %arg5: memref<1x256xf32, #tpu.memory_space<vmem>>, %arg6: memref<256x128xf32, #tpu.memory_space<vmem>>, %arg7: memref<1024x128xf32, #tpu.memory_space<vmem>>) attributes {dimension_semantics = [#tpu.dimension_semantics<arbitrary>], iteration_bounds = array<i64: 10>, scalar_prefetch = 0 : i64, scratch_operands = 0 : i64, tpu.core_type = #tpu.core_type<tc>, window_params = [{transform_indices = @transform_0, window_bounds = array<i64: 2, 1024, 128>}, {transform_indices = @transform_1, window_bounds = array<i64: 1024, 128>}, {transform_indices = @transform_2, window_bounds = array<i64: 1024, 1>}, {pipeline_mode = #tpu.pipeline_mode<synchronous>, transform_indices = @transform_3, window_bounds = array<i64: 128, 256>}, {pipeline_mode = #tpu.pipeline_mode<synchronous>, transform_indices = @transform_4, window_bounds = array<i64: 1, 256>}, {pipeline_mode = #tpu.pipeline_mode<synchronous>, transform_indices = @transform_5, window_bounds = array<i64: 256, 128>}, {transform_indices = @transform_6, window_bounds = array<i64: 1024, 128>}]} {
    %get3A = arith.constant 0 : index
    %get3A_0 = arith.constant 0 : index
    %get3A_1 = vector.load %arg3[%get3A, %get3A_0] : memref<1024x1xf32, #tpu.memory_space<vmem>>, vector<1024x1xf32>
    %get3A_2 = arith.constant 0 : index
    %get3A_3 = arith.constant 0 : index
    %get3A_4 = arith.constant 0 : index
    %get3A_5 = vector.load %arg1[%get3A_2, %get3A_3, %get3A_4] : memref<2x1024x128xf32, #tpu.memory_space<vmem>>, vector<1x1024x128xf32>
    %get3A_6 = vector.shape_cast %get3A_5 : vector<1x1024x128xf32> to vector<1024x128xf32>
    %get3A_7 = arith.constant 1 : index
    %get3A_8 = arith.constant 0 : index
    %get3A_9 = arith.constant 0 : index
    %get3A_10 = vector.load %arg1[%get3A_7, %get3A_8, %get3A_9] : memref<2x1024x128xf32, #tpu.memory_space<vmem>>, vector<1x1024x128xf32>
    %get3A_11 = vector.shape_cast %get3A_10 : vector<1x1024x128xf32> to vector<1024x128xf32>
    %add3A = arith.addf %get3A_6, %get3A_11 : vector<1024x128xf32>
    %get3A_12 = arith.constant 0 : index
    %get3A_13 = arith.constant 0 : index
    %get3A_14 = vector.load %arg2[%get3A_12, %get3A_13] : memref<1024x128xf32, #tpu.memory_space<vmem>>, vector<1024x128xf32>
    %add3A_15 = arith.addf %add3A, %get3A_14 : vector<1024x128xf32>
    %mul3A = vector.broadcast %get3A_1 : vector<1024x1xf32> to vector<1024x128xf32>
    %mul3A_16 = arith.mulf %mul3A, %add3A_15 : vector<1024x128xf32>
    %get3A_17 = arith.constant 0 : index
    %get3A_18 = arith.constant 0 : index
    %get3A_19 = vector.load %arg4[%get3A_17, %get3A_18] : memref<128x256xf32, #tpu.memory_space<vmem>>, vector<128x256xf32>
    %dot_general3A = arith.constant dense<0.000000e+00> : vector<1024x256xf32>
    %dot_general3A_20 = tpu.matmul %mul3A_16, %get3A_19, %dot_general3A {dimension_numbers = #tpu.dot_dimension_numbers<[1], [0], [0], [1], [0, 0, 1, 1], [], []>, transpose_lhs_hint = false} : vector<1024x128xf32>, vector<128x256xf32>, vector<1024x256xf32> -> vector<1024x256xf32>
    %get3A_21 = arith.constant 0 : index
    %get3A_22 = arith.constant 0 : index
    %get3A_23 = vector.load %arg5[%get3A_21, %get3A_22] : memref<1x256xf32, #tpu.memory_space<vmem>>, vector<1x256xf32>
    %add3A_24 = vector.broadcast %get3A_23 : vector<1x256xf32> to vector<1024x256xf32>
    %add3A_25 = arith.addf %dot_general3A_20, %add3A_24 : vector<1024x256xf32>
    %max3A = arith.constant 0.000000e+00 : f32
    %max3A_26 = vector.broadcast %max3A : f32 to vector<1024x256xf32>
    %max3A_27 = arith.maximumf %add3A_25, %max3A_26 : vector<1024x256xf32>
    %get3A_28 = arith.constant 0 : index
    %get3A_29 = arith.constant 0 : index
    %get3A_30 = vector.load %arg6[%get3A_28, %get3A_29] : memref<256x128xf32, #tpu.memory_space<vmem>>, vector<256x128xf32>
    %dot_general3A_31 = arith.constant dense<0.000000e+00> : vector<1024x128xf32>
    %dot_general3A_32 = tpu.matmul %max3A_27, %get3A_30, %dot_general3A_31 {dimension_numbers = #tpu.dot_dimension_numbers<[1], [0], [0], [1], [0, 0, 1, 1], [], []>, transpose_lhs_hint = false} : vector<1024x256xf32>, vector<256x128xf32>, vector<1024x128xf32> -> vector<1024x128xf32>
    %mul3A_33 = vector.broadcast %get3A_1 : vector<1024x1xf32> to vector<1024x128xf32>
    %mul3A_34 = arith.mulf %mul3A_33, %dot_general3A_32 : vector<1024x128xf32>
    %swap3A = arith.constant 0 : index
    %swap3A_35 = arith.constant 0 : index
    %swap3A_36 = vector.load %arg7[%swap3A, %swap3A_35] : memref<1024x128xf32, #tpu.memory_space<vmem>>, vector<1024x128xf32>
    tpu.vector_store %arg7[%swap3A, %swap3A_35], %mul3A_34 {strides = array<i32>} : memref<1024x128xf32, #tpu.memory_space<vmem>>, vector<1024x128xf32>,
    return
  }
  func.func @transform_0(%arg0: i32) -> (i32, i32, i32) {
    %c0_i32 = arith.constant 0 : i32
    %c0_i32_0 = arith.constant 0 : i32
    %c0_i32_1 = arith.constant 0 : i32
    return %c0_i32, %arg0, %c0_i32_0 : i32, i32, i32
  }
  func.func @transform_1(%arg0: i32) -> (i32, i32) {
    %c0_i32 = arith.constant 0 : i32
    %c0_i32_0 = arith.constant 0 : i32
    return %arg0, %c0_i32 : i32, i32
  }
  func.func @transform_2(%arg0: i32) -> (i32, i32) {
    %c0_i32 = arith.constant 0 : i32
    %c0_i32_0 = arith.constant 0 : i32
    return %arg0, %c0_i32 : i32, i32
  }
  func.func @transform_3(%arg0: i32) -> (i32, i32) {
    %c0_i32 = arith.constant 0 : i32
    %c0_i32_0 = arith.constant 0 : i32
    %c0_i32_1 = arith.constant 0 : i32
    return %c0_i32, %c0_i32_0 : i32, i32
  }
  func.func @transform_4(%arg0: i32) -> (i32, i32) {
    %c0_i32 = arith.constant 0 : i32
    %c0_i32_0 = arith.constant 0 : i32
    %c0_i32_1 = arith.constant 0 : i32
    return %c0_i32, %c0_i32_0 : i32, i32
  }
  func.func @transform_5(%arg0: i32) -> (i32, i32) {
    %c0_i32 = arith.constant 0 : i32
    %c0_i32_0 = arith.constant 0 : i32
    %c0_i32_1 = arith.constant 0 : i32
    return %c0_i32, %c0_i32_0 : i32, i32
  }
  func.func @transform_6(%arg0: i32) -> (i32, i32) {
    %c0_i32 = arith.constant 0 : i32
    %c0_i32_0 = arith.constant 0 : i32
    return %arg0, %c0_i32 : i32, i32
  }
}

module attributes {stable_mosaic.version = 14 : i64} {
  func.func @_finish_body(%arg0: i32, %arg1: memref<2x1024x128xf32, #tpu.memory_space<vmem>>, %arg2: memref<1024x128xf32, #tpu.memory_space<vmem>>, %arg3: memref<1024x1xf32, #tpu.memory_space<vmem>>, %arg4: memref<1x128xf32, #tpu.memory_space<vmem>>, %arg5: memref<1024x128xf32, #tpu.memory_space<vmem>>) attributes {dimension_semantics = [#tpu.dimension_semantics<arbitrary>], iteration_bounds = array<i64: 10>, scalar_prefetch = 0 : i64, scratch_operands = 0 : i64, tpu.core_type = #tpu.core_type<tc>, window_params = [{transform_indices = @transform_0, window_bounds = array<i64: 2, 1024, 128>}, {transform_indices = @transform_1, window_bounds = array<i64: 1024, 128>}, {transform_indices = @transform_2, window_bounds = array<i64: 1024, 1>}, {pipeline_mode = #tpu.pipeline_mode<synchronous>, transform_indices = @transform_3, window_bounds = array<i64: 1, 128>}, {transform_indices = @transform_4, window_bounds = array<i64: 1024, 128>}]} {
    %get3A = arith.constant 0 : index
    %get3A_0 = arith.constant 0 : index
    %get3A_1 = vector.load %arg3[%get3A, %get3A_0] : memref<1024x1xf32, #tpu.memory_space<vmem>>, vector<1024x1xf32>
    %get3A_2 = arith.constant 0 : index
    %get3A_3 = arith.constant 0 : index
    %get3A_4 = arith.constant 0 : index
    %get3A_5 = vector.load %arg1[%get3A_2, %get3A_3, %get3A_4] : memref<2x1024x128xf32, #tpu.memory_space<vmem>>, vector<1x1024x128xf32>
    %get3A_6 = vector.shape_cast %get3A_5 : vector<1x1024x128xf32> to vector<1024x128xf32>
    %get3A_7 = arith.constant 1 : index
    %get3A_8 = arith.constant 0 : index
    %get3A_9 = arith.constant 0 : index
    %get3A_10 = vector.load %arg1[%get3A_7, %get3A_8, %get3A_9] : memref<2x1024x128xf32, #tpu.memory_space<vmem>>, vector<1x1024x128xf32>
    %get3A_11 = vector.shape_cast %get3A_10 : vector<1x1024x128xf32> to vector<1024x128xf32>
    %add3A = arith.addf %get3A_6, %get3A_11 : vector<1024x128xf32>
    %get3A_12 = arith.constant 0 : index
    %get3A_13 = arith.constant 0 : index
    %get3A_14 = vector.load %arg2[%get3A_12, %get3A_13] : memref<1024x128xf32, #tpu.memory_space<vmem>>, vector<1024x128xf32>
    %add3A_15 = arith.addf %add3A, %get3A_14 : vector<1024x128xf32>
    %mul3A = vector.broadcast %get3A_1 : vector<1024x1xf32> to vector<1024x128xf32>
    %mul3A_16 = arith.mulf %mul3A, %add3A_15 : vector<1024x128xf32>
    %get3A_17 = arith.constant 0 : index
    %get3A_18 = arith.constant 0 : index
    %get3A_19 = vector.load %arg4[%get3A_17, %get3A_18] : memref<1x128xf32, #tpu.memory_space<vmem>>, vector<1x128xf32>
    %add3A_20 = vector.broadcast %get3A_19 : vector<1x128xf32> to vector<1024x128xf32>
    %add3A_21 = arith.addf %mul3A_16, %add3A_20 : vector<1024x128xf32>
    %swap3A = arith.constant 0 : index
    %swap3A_22 = arith.constant 0 : index
    %swap3A_23 = vector.load %arg5[%swap3A, %swap3A_22] : memref<1024x128xf32, #tpu.memory_space<vmem>>, vector<1024x128xf32>
    tpu.vector_store %arg5[%swap3A, %swap3A_22], %add3A_21 {strides = array<i32>} : memref<1024x128xf32, #tpu.memory_space<vmem>>, vector<1024x128xf32>,
    return
  }
  func.func @transform_0(%arg0: i32) -> (i32, i32, i32) {
    %c0_i32 = arith.constant 0 : i32
    %c0_i32_0 = arith.constant 0 : i32
    %c0_i32_1 = arith.constant 0 : i32
    return %c0_i32, %arg0, %c0_i32_0 : i32, i32, i32
  }
  func.func @transform_1(%arg0: i32) -> (i32, i32) {
    %c0_i32 = arith.constant 0 : i32
    %c0_i32_0 = arith.constant 0 : i32
    return %arg0, %c0_i32 : i32, i32
  }
  func.func @transform_2(%arg0: i32) -> (i32, i32) {
    %c0_i32 = arith.constant 0 : i32
    %c0_i32_0 = arith.constant 0 : i32
    return %arg0, %c0_i32 : i32, i32
  }
  func.func @transform_3(%arg0: i32) -> (i32, i32) {
    %c0_i32 = arith.constant 0 : i32
    %c0_i32_0 = arith.constant 0 : i32
    %c0_i32_1 = arith.constant 0 : i32
    return %c0_i32, %c0_i32_0 : i32, i32
  }
  func.func @transform_4(%arg0: i32) -> (i32, i32) {
    %c0_i32 = arith.constant 0 : i32
    %c0_i32_0 = arith.constant 0 : i32
    return %arg0, %c0_i32 : i32, i32
  }
}

</mosaic_0001>

<sc_bundles>
// kernel: kernel.11.cloned.1.call-start
scs
__scs_entry_jumppad:
0x0: {  	(pc) =	sbr.rel $0x88, $3  }
0x1: {  	(tag) =	ssettag $0x0;
	lr =	simm.s32 $0x1  }
0x2: {  	[smem:$0x3F99] =	sst lr;
	_ =	strace $0xD0000000  }
0x3: {  	_ = 	snop  }
0x4: {  	_ = 	snop  }
0x5: {  	_ = 	snop  }
0x6: {  	_ = 	snop  }
0x7: {  	_ = 	snop  }
__scs_overlays_trampoline_lowered:
0x8: {  	[smem:$0x3FA8] =	sst s0  }
0x9: {  	[smem:$0x3FA9] =	sst s1  }
0xa: {  	[smem:$0x3FAA] =	sst s2  }
0xb: {  	[smem:$0x3FAB] =	sst s3  }
0xc: {  	[smem:$0x3FAC] =	sst s4  }
0xd: {  	[smem:$0x3FAD] =	sst s5  }
0xe: {  	[smem:$0x3FAE] =	sst s6  }
0xf: {  	[smem:$0x3FAF] =	sst s7  }
0x10: {  	[smem:$0x3FB0] =	sst s8  }
0x11: {  	[smem:$0x3FB1] =	sst s9;
	s0 =	simm.s32 @!p0 $0x0  }
0x12: {  	s1 =	sld [smem:$0x3F97];
	s0 =	simm.s32 @p0 $0x1  }
0x13: {  	[smem:$0x3FB2] =	sst s0;
	s0 =	simm.s32 @!p1 $0x0  }
0x14: {  	s2 =	sld [smem:$0x3F96];
	s0 =	simm.s32 @p1 $0x1  }
0x15: {  	[smem:$0x3FB3] =	sst s0;
	s0 =	simm.s32 @!p2 $0x0  }
0x16: {  	s3 =	sld [smem:$0x3FDB];
	s0 =	simm.s32 @p2 $0x1  }
0x17: {  	s4 =	simm.s32 $0x1BF5;
	[smem:$0x3FB5] =	sst s0  }
0x18: {  	s0 =	sld [smem:$0x3F98];
	_ =	swait.ge [sflag:s4], $0x0  }
0x19: {  	s7 =	sld [smem:$0x3F99]  }
0x1a: {  	s8 =	sadd.s32 $0xFFFFE003, lr  }
0x1b: {  	s9 =	sadd.s32 $0xFFFFFEF7, lr;
	s5 =	simm.s32 $0xFFFFFFFF;
	p2 =	slt.u32 s8, $0xFFFFF086  }
0x1c: {  	p1 =	slt.u32 s9, $0xF7A;
	s5 =	simm.s32 @!p2 $0x0  }
0x1d: {  	s5 =	simm.s32 @p1 $0x1;
	p0 =	seq.s32 s7, s2  }
0x1e: {  	s7 =	smul.u32 @!p0 $0xF7A, s2;
	p2 =	seq.s32 @!p0 s5, $0x0  }
0x1f: {  	s9 =	smul.u32 $0xF7A, s1;
	s8 =	simm.s32 @!p0 $0x1BF5;
	p2 =	por !p2, p0  }
0x20: {  	[sflag:s8] =	ssyncset.s32 @!p0 $0xFFFFF086;
	s6 =	sadd.s32 @!p0 s3, s7;
	s7 =	simm.s32 @!p0 $0x108  }
0x21: {  	s3 =	sadd.s32 s3, s9;
	s6 =	sadd.s32 @!p0 $0x88, s6;
	s7 =	simm.s32 @p2 $0x1082  }
0x22: {  	[simem:s7], [sflag:s8] =	dma.local @!p0 [hbm:s6], $0xF7A  }
0x23: {  	s9 =	sor.u32 $0xD0000000, s2;
	s6 =	simm.s32 $0x108;
	_ =	swait.ge @!p0 [sflag:s8], $0x0  }
0x24: {  	s3 =	sadd.s32 $0x88, s3;
	s6 =	simm.s32 @!p1 $0x1082;
	[sflag:s4] =	ssyncset.s32 $0xFFFFF086  }
0x25: {  	[simem:s6], [sflag:s4] =	dma.local [hbm:s3], $0xF7A  }
0x26: {  	[smem:$0x3F99] =	sst s1;
	(tag) =	ssettag s2;
	_ =	strace s9  }
0x27: {  	s1 =	sld [smem:$0x3FA9]  }
0x28: {  	s2 =	sld [smem:$0x3FAA]  }
0x29: {  	s4 =	sld [smem:$0x3FAC]  }
0x2a: {  	p0 =	seq.s32 s5, $0x0;
	s5 =	sld [smem:$0x3FAD]  }
0x2b: {  	s6 =	sld [smem:$0x3FAE]  }
0x2c: {  	s7 =	sld [smem:$0x3FAF]  }
0x2d: {  	s3 =	simm.s32 $0x108;
	s8 =	sld [smem:$0x3FB0]  }
0x2e: {  	s3 =	simm.s32 @!p0 $0x1082;
	s9 =	sld [smem:$0x3FB1]  }
0x2f: {  	lr =	sadd.s32 s0, s3;
	s0 =	sld [smem:$0x3FA8]  }
0x30: {  	s3 =	sld [smem:$0x3FAB]  }
0x31: {  	[smem:$0x3FB4] =	sst s10  }
0x32: {  	s10 =	sld [smem:$0x3FB2];
	_ =	sdelay $0x3  }
0x33: {  	p0 =	seq.s32 s10, $0x1;
	s10 =	sld [smem:$0x3FB4];
	_ =	sdelay $0x3  }
0x34: {  	[smem:$0x3FB4] =	sst s10  }
0x35: {  	s10 =	sld [smem:$0x3FB3];
	_ =	sdelay $0x3  }
0x36: {  	p1 =	seq.s32 s10, $0x1;
	s10 =	sld [smem:$0x3FB4];
	_ =	sdelay $0x3  }
0x37: {  	[smem:$0x3FB4] =	sst s10  }
0x38: {  	s10 =	sld [smem:$0x3FB5]  }
0x39: {  	_ = 	snop;
	(pc) =	sbr.ind lr, $3  }
0x3a: {  	_ = 	snop  }
0x3b: {  	_ = 	snop  }
0x3c: {  	p2 =	seq.s32 s10, $0x1;
	s10 =	sld [smem:$0x3FB4]  }
0x3d: {  	_ =	shalt  }
0x3e: {  	_ =	shalt  }
0x3f: {  	_ =	shalt  }
0x40: {  	_ =	shalt  }
0x41: {  	_ =	shalt  }
0x42: {  	_ =	shalt  }
0x43: {  	_ =	shalt  }
0x44: {  	_ =	shalt  }
0x45: {  	_ =	shalt  }
0x46: {  	_ =	shalt  }
0x47: {  	_ =	shalt  }
0x48: {  	_ =	shalt  }
0x49: {  	_ =	shalt  }
0x4a: {  	_ =	shalt  }
0x4b: {  	_ =	shalt  }
0x4c: {  	_ =	shalt  }
0x4d: {  	_ =	shalt  }
0x4e: {  	_ =	shalt  }
0x4f: {  	_ =	shalt  }
0x50: {  	_ =	shalt  }
0x51: {  	_ =	shalt  }
0x52: {  	_ =	shalt  }
0x53: {  	_ =	shalt  }
0x54: {  	_ =	shalt  }
0x55: {  	_ =	shalt  }
0x56: {  	_ =	shalt  }
0x57: {  	_ =	shalt  }
0x58: {  	_ =	shalt  }
0x59: {  	_ =	shalt  }
0x5a: {  	_ =	shalt  }
0x5b: {  	_ =	shalt  }
0x5c: {  	_ =	shalt  }
0x5d: {  	_ =	shalt  }
0x5e: {  	_ =	shalt  }
0x5f: {  	_ =	shalt  }
0x60: {  	_ =	shalt  }
0x61: {  	_ =	shalt  }
0x62: {  	_ =	shalt  }
0x63: {  	_ =	shalt  }
0x64: {  	_ =	shalt  }
0x65: {  	_ =	shalt  }
0x66: {  	_ =	shalt  }
0x67: {  	_ =	shalt  }
0x68: {  	_ =	shalt  }
0x69: {  	_ =	shalt  }
0x6a: {  	_ =	shalt  }
0x6b: {  	_ =	shalt  }
0x6c: {  	_ =	shalt  }
0x6d: {  	_ =	shalt  }
0x6e: {  	_ =	shalt  }
0x6f: {  	_ =	shalt  }
0x70: {  	_ =	shalt  }
0x71: {  	_ =	shalt  }
0x72: {  	_ =	shalt  }
0x73: {  	_ =	shalt  }
0x74: {  	_ =	shalt  }
0x75: {  	_ =	shalt  }
0x76: {  	_ =	shalt  }
0x77: {  	_ =	shalt  }
0x78: {  	_ =	shalt  }
0x79: {  	_ =	shalt  }
0x7a: {  	_ =	shalt  }
0x7b: {  	_ =	shalt  }
0x7c: {  	_ =	shalt  }
0x7d: {  	_ =	shalt  }
0x7e: {  	_ =	shalt  }
0x7f: {  	_ =	shalt  }
0x80: {  	_ =	shalt  }
0x81: {  	_ =	shalt  }
0x82: {  	_ =	shalt  }
0x83: {  	_ =	shalt  }
0x84: {  	_ =	shalt  }
0x85: {  	_ =	shalt  }
0x86: {  	_ =	shalt  }
0x87: {  	_ =	shalt  }
.Lfunc_end0:
.L_simem_size_0:
called_computation.1_lowered:
.L_overlay_start_0:
0x88: {  	s2 =	sld [smem:$0x3FD9]  }
0x89: {  	s3 =	sld [smem:$0x3FFE];
	_ =	sdelay $0x1  }
0x8a: {  	s1 =	srdreg.scid  }
0x8b: {  	s0 =	sand.u32 $0x1, s1  }
0x8c: {  	s14 =	sshll.u32 s0, $0xA;
	s2 =	sadd.s32 s3, s2  }
0x8d: {  	s2 =	sadd.s32 s2, s14  }
0x8e: {  	[smem:$0x3FC0] =	sst s2  }
0x8f: {  	_ = 	snop  }
0x90: {  	s2 =	sld [smem:$0x3FD0];
	_ =	sdelay $0x2  }
0x91: {  	s15 =	simm.s32 $0xA;
	s4 =	simm.s32 $0x10  }
0x92: {  	[smem:s4], [sflag:s15] =	dma.local [hbm:s2], $0x1  }
0x93: {  	_ =	swait.eq [sflag:s15], $0x1  }
0x94: {  	[sflag:s15] =	ssyncset.done $0x0  }
0x95: {  	s16 =	sld [smem:$0x10];
	[sflag:s15] =	ssyncadd.s32 $0xFFFFFFFF  }
0x96: {  	s17 =	sld [smem:$0x11];
	(tm) =	ssettm $0x1  }
0x97: {  	s18 =	sld [smem:$0x3FFB];
	_ =	sdelay $0x3  }
0x98: {  	_ =	strace s18  }
0x99: {  	s4 =	sld [smem:$0x3FFC];
	_ =	sdelay $0x3  }
0x9a: {  	_ =	strace s4  }
0x9b: {  	s4 =	sld [smem:$0x3FFD];
	_ =	sdelay $0x3  }
0x9c: {  	_ =	strace s4  }
0x9d: {  	_ =	strace $0x8FFFFFFF  }
0x9e: {  	s19 =	sld [smem:$0x3FDB];
	_ =	sdelay $0x1  }
0x9f: {  	s5 =	simm.s32 $_scs_section_size  }
0xa0: {  	s6 =	simm.s32 $_size__tile_overlayer_lowered;
	s7 =	simm.s32 $_tile_overlayer_lowered  }
0xa1: {  	s22 =	simm.s32 $0x1BFF;
	s21 =	sshll.u32 s7, $0x1;
	s4 =	sadd.s32 s5, s19  }
0xa2: {  	s8 =	simm.s32 $0x0;
	s20 =	sshll.u32 s6, $0x1;
	s6 =	sadd.s32 s21, s4  }
0xa3: {  	[timem:s8], [sflag:s22] =	dma.local [hbm:s6], s20  }
0xa4: {  	_ =	swait.ge [sflag:s22], s20  }
0xa5: {  	s5 =	ssub.s32 $0x0, s20;
	[sflag:s22] =	ssyncset.done $0x0  }
0xa6: {  	[sflag:s22] =	ssyncadd.s32 s5;
	_ =	sdelay $0x1  }
0xa7: {  	s23 =	simm.s32 $0x1B8B  }
0xa8: {  	_ =	swait.ge [sflag:s23], $0x1  }
0xa9: {  	[sflag:s23] =	ssyncset.done $0x0  }
0xaa: {  	s25 =	simm.s32 $0x1B8E;
	s24 =	sld [smem:$0x3FFE];
	[sflag:s23] =	ssyncadd.s32 $0xFFFFFFFF  }
0xab: {  	s26 =	simm.s32 $execute0_lowered;
	[smem:$0x3FD2] =	sst s25  }
0xac: {  	s6 =	sshll.u32 s26, $0x1;
	_ =	strace $0x80000049;
	[dreg:$0x1] =	wrdreg $0xFFFFFFFF  }
0xad: {  	s28 =	simm.s32 $_size_execute0_lowered;
	s4 =	sadd.s32 s4, s6;
	[dreg:$0x0] =	wrdreg $0x0  }
0xae: {  	s6 =	sshll.u32 s28, $0x1;
	[dreg:$0x2] =	wrdreg s4  }
0xaf: {  	[dreg:$0x3] =	wrdreg s6  }
0xb0: {  	[dreg:$0x4] =	wrdreg $0xC0  }
0xb1: {  	_ =	task [dreg:s8], $0x5FFFF  }
0xb2: {  	[dreg:$0x1] =	wrdreg $0xFFFFFFFF  }
0xb3: {  	[dreg:$0x0] =	wrdreg $0x60  }
0xb4: {  	[dreg:$0x2] =	wrdreg s24  }
0xb5: {  	[dreg:$0x3] =	wrdreg s16  }
0xb6: {  	[dreg:$0x4] =	wrdreg s17  }
0xb7: {  	[dreg:$0x5] =	wrdreg $0x0  }
0xb8: {  	[dreg:$0x6] =	wrdreg $0x9  }
0xb9: {  	_ =	task.clear_ibuf [dreg:s8], $0x7FFFF;
	_ =	strace $0x90000049  }
0xba: {  	s29 =	simm.s32 $0x9;
	_ =	strace $0x8000004B  }
0xbb: {  	_ =	swait.ge [sflag:s29], $0x1  }
0xbc: {  	[sflag:s29] =	ssyncadd.s32 $0xFFFFFFFF  }
0xbd: {  	_ =	strace $0x9000004B  }
0xbe: {  	_ =	sfence  }
0xbf: {  	s30 =	sld [smem:$0x0];
	_ =	sdelay $0x2  }
0xc0: {  	s31 =	sshll.u32 s1, $0xD;
	s1 =	sshrl.u32 s1, $0x2  }
0xc1: {  	s3 =	sand.u32 $0x4000, s31;
	s1 =	sadd.s32 s1, s30  }
0xc2: {  	s0 =	sor.u32 s3, s0;
	s1 =	sshll.u32 s1, $0x11  }
0xc3: {  	s0 =	sor.u32 s1, s0  }
0xc4: {  	s0 =	sadd.s32 $0x8F2B, s0  }
0xc5: {  	[sflag:s0] =	ssyncadd.remote.s32 $0x1  }
0xc6: {  	_ =	sfence.sel $0xFFFF  }
0xc7: {  	[dreg:$0x0] =	wrdreg $0xFFFFFFFF;
	(pc) =	sbr.abs _section_cstart, $3  }
0xc8: {  	[dreg:$0x1] =	wrdreg $0xFFFFFFFF  }
0xc9: {  	_ =	task.clear_ibuf [dreg:s8], $0x2FFFF;
	_ =	strace $0x9FFFFFFF  }
0xca: {  	(tm) =	ssettm $0x7FFFFFFF  }
0xcb: {  	_ =	shalt  }
tec
execute0_lowered:
.L_overlay_start_1:
0x0: {  	(tag) =	ssettag $0x1  }
0x1: {  	s0 =	rddreg [dreg:$0x0];
	s1 =	srdreg.scid  }
0x2: {  	s11 =	stileid.u32;
	s2 =	rddreg [dreg:$0x1]  }
0x3: {  	s3 =	rddreg [dreg:$0x3];
	s4 =	simm.s32 $0x0;
	s12 =	simm.s32 $0x14080  }
0x4: {  	s14 =	simm.s32 $0x14100;
	s15 =	simm.s32 $0x14880;
	[smem:$0x7FF] =	sst s4  }
0x5: {  	s16 =	simm.s32 $0x14180;
	_ =	strace $0x8000004A;
	[dreg:$0x7] =	wrdreg s12  }
0x6: {  	s17 =	simm.s32 $0x14900;
	s18 =	simm.s32 $0x14200;
	[dreg:$0x8] =	wrdreg s14  }
0x7: {  	s19 =	simm.s32 $0x14980;
	s20 =	simm.s32 $0x14280;
	[dreg:$0x9] =	wrdreg s15  }
0x8: {  	s21 =	simm.s32 $0x14A00;
	s22 =	simm.s32 $0x14300;
	[dreg:$0xa] =	wrdreg s16  }
0x9: {  	s23 =	simm.s32 $0x14A80;
	s24 =	simm.s32 $0x14380;
	[dreg:$0xb] =	wrdreg s17  }
0xa: {  	s25 =	simm.s32 $0x14B00;
	s26 =	simm.s32 $0x14400;
	[dreg:$0xc] =	wrdreg s18  }
0xb: {  	s28 =	simm.s32 $0x14680;
	s29 =	simm.s32 $0x14E00;
	[dreg:$0xd] =	wrdreg s19  }
0xc: {  	s30 =	simm.s32 $0x14700;
	s31 =	simm.s32 $0x14E80;
	[dreg:$0xe] =	wrdreg s20  }
0xd: {  	s1 =	sand.u32 $0x1, s1;
	s5 =	smul.u32 $0x2800, s11;
	[dreg:$0xf] =	wrdreg s21  }
0xe: {  	s10 =	smul.u32 $0x50000, s11;
	s13 =	sshll.u32 s11, $0x6;
	[dreg:$0x10] =	wrdreg s22  }
0xf: {  	s11 =	simm.s32 $0x14000;
	s6 =	smul.u32 $0x28000, s1;
	[dreg:$0x11] =	wrdreg s23  }
0x10: {  	s1 =	ssub.s32 $0x2, s1;
	s12 =	simm.s32 $0x14800;
	[dreg:$0x12] =	wrdreg s24  }
0x11: {  	s14 =	simm.s32 $0x15000;
	s15 =	simm.s32 $0x19000;
	[dreg:$0x13] =	wrdreg s25  }
0x12: {  	s16 =	simm.s32 $0x1;
	s17 =	simm.s32 $0x2;
	[dreg:$0x14] =	wrdreg s26  }
0x13: {  	s18 =	simm.s32 $0x14B80;
	s19 =	simm.s32 $0x14480;
	s20 =	simm.s32 $0x14C00  }
0x14: {  	s21 =	simm.s32 $0x14500;
	s22 =	simm.s32 $0x14C80;
	s23 =	simm.s32 $0x14580  }
0x15: {  	s24 =	simm.s32 $0x14D00;
	s25 =	simm.s32 $0x14600;
	s26 =	simm.s32 $0x14D80  }
0x16: {  	s9 =	sshrl.u32 s1, $0x1;
	s6 =	sadd.s32 s5, s6;
	s5 =	sadd.s32 $0xCC00, s0  }
0x17: {  	s1 =	ssub.s32 s1, s9;
	s9 =	sshrl.u32 s10, $0x2;
	s7 =	sshrl.u32 s6, $0x3  }
0x18: {  	s1 =	smax.u32 s1, $0x1;
	s8 =	sadd.s32 s7, s0;
	s0 =	sadd.s32 s6, s0  }
0x19: {  	s2 =	sadd.s32 s7, s2;
	s6 =	sadd.s32 s9, s3;
	[dreg:$0x17] =	wrdreg s1  }
0x1a: {  	s7 =	sor.u32 $0x1C03, s13;
	s13 =	simm.s32 $0x80;
	[dreg:$0x5] =	wrdreg s2  }
0x1b: {  	s1 =	simm.s32 $0x14780;
	s10 =	sadd.s32 $0x2C00, s8;
	[dreg:$0x15] =	wrdreg s7  }
0x1c: {  	s9 =	simm.s32 $0x0;
	s0 =	sadd.s32 $0x34C00, s0;
	[dreg:$0x6] =	wrdreg s10  }
0x1d: {  	s8 =	sshrl.u32 s6, $0x3;
	s2 =	simm.s32 $0x14F80;
	[dreg:$0x16] =	wrdreg s0  }
0x1e: {  	s10 =	simm.s32 $0x3;
	s0 =	simm.s32 $0x14F00;
	[dreg:$0x18] =	wrdreg s8  }
.LBB2_1:
0x1f: {  	[dreg:$0x19] =	wrdreg s9  }
0x20: {  	s6 =	rddreg [dreg:$0x2]  }
0x21: {  	[spmem:s8], [sflag:s7] =	dma.local [hbm:s6], $0x2800  }
0x22: {  	_ =	swait.ge [sflag:s10], $0x2800  }
0x23: {  	[sflag:s10] =	ssyncset.done $0x0  }
0x24: {  	[sflag:s10] =	ssyncadd.s32 $0xFFFFD800  }
0x25: {  	[bflag:$0x0] =	sbarrier.arrive $0xFFFF  }
0x26: {  	s9 =	rddreg [dreg:$0x6]  }
0x27: {  	s6 =	sadd.s32 $0x0, s9  }
0x28: {  	[tilespmem:s11], [sflag:$0x3] =	stream.linear.gather [hbm4b:s6+s4], $0x800, $0x38;
	[tilespmem:$0x1D000] =	vst v63  }
0x29: {  	_ =	swait.ge [sflag:s10], $0x800  }
0x2a: {  	s7 =	rddreg [dreg:$0x5];
	[sflag:s10] =	ssyncset.done $0x0  }
0x2b: {  	[sflag:s10] =	ssyncadd.s32 $0xFFFFF800;
	s6 =	sadd.s32 $0x0, s7  }
0x2c: {  	[tilespmem:s12], [sflag:$0x3] =	stream.linear.gather [hbm4b:s6+s4], $0x800, $0x38;
	[tilespmem:$0x1D000] =	vst v63  }
0x2d: {  	_ =	swait.ge [sflag:s10], $0x800  }
0x2e: {  	[sflag:s10] =	ssyncset.done $0x0  }
0x2f: {  	[sflag:s10] =	ssyncadd.s32 $0xFFFFF800  }
0x30: {  	[tilespmem:s14], [sflag:$0x1] =	stream.indirect.gather [hbm4b:s5+s13], $0x80, s11, s13, $0xb8;
	[tilespmem:$0x1D000] =	vst v63  }
0x31: {  	s8 =	rddreg [dreg:$0x7]  }
0x32: {  	[tilespmem:s15], [sflag:$0x2] =	stream.indirect.gather [hbm4b:s5+s13], $0x80, s8, s13, $0xb8;
	[tilespmem:$0x1D000] =	vst v63  }
0x33: {  	_ =	swait.ge [sflag:s16], $0x4000  }
0x34: {  	[sflag:s16] =	ssyncset.done $0x0  }
0x35: {  	[sflag:s16] =	ssyncadd.s32 $0xFFFFC000  }
0x36: {  	[spmem:s3] =	stream.indirect.scatter.add.f32 [tilespmem:s14], [sflag:$0x3], $0x80, s12, s13, $0xb8;
	[tilespmem:$0x1D000] =	vst v63  }
0x37: {  	_ =	swait.ge [sflag:s10], $0x4000  }
0x38: {  	[sflag:s10] =	ssyncset.done $0x0  }
0x39: {  	s9 =	rddreg [dreg:$0x8];
	[sflag:s10] =	ssyncadd.s32 $0xFFFFC000  }
0x3a: {  	[tilespmem:s14], [sflag:$0x1] =	stream.indirect.gather [hbm4b:s5+s13], $0x80, s9, s13, $0xb8;
	[tilespmem:$0x1D000] =	vst v63  }
0x3b: {  	_ =	swait.ge [sflag:s17], $0x4000  }
0x3c: {  	[sflag:s17] =	ssyncset.done $0x0  }
0x3d: {  	s7 =	rddreg [dreg:$0x9];
	[sflag:s17] =	ssyncadd.s32 $0xFFFFC000  }
0x3e: {  	[spmem:s3] =	stream.indirect.scatter.add.f32 [tilespmem:s15], [sflag:$0x3], $0x80, s7, s13, $0xb8;
	[tilespmem:$0x1D000] =	vst v63  }
0x3f: {  	_ =	swait.ge [sflag:s10], $0x4000  }
0x40: {  	[sflag:s10] =	ssyncset.done $0x0  }
0x41: {  	s8 =	rddreg [dreg:$0xa];
	[sflag:s10] =	ssyncadd.s32 $0xFFFFC000  }
0x42: {  	[tilespmem:s15], [sflag:$0x2] =	stream.indirect.gather [hbm4b:s5+s13], $0x80, s8, s13, $0xb8;
	[tilespmem:$0x1D000] =	vst v63  }
0x43: {  	_ =	swait.ge [sflag:s16], $0x4000  }
0x44: {  	[sflag:s16] =	ssyncset.done $0x0  }
0x45: {  	s9 =	rddreg [dreg:$0xb];
	[sflag:s16] =	ssyncadd.s32 $0xFFFFC000  }
0x46: {  	[spmem:s3] =	stream.indirect.scatter.add.f32 [tilespmem:s14], [sflag:$0x3], $0x80, s9, s13, $0xb8;
	[tilespmem:$0x1D000] =	vst v63  }
0x47: {  	_ =	swait.ge [sflag:s10], $0x4000  }
0x48: {  	[sflag:s10] =	ssyncset.done $0x0  }
0x49: {  	s7 =	rddreg [dreg:$0xc];
	[sflag:s10] =	ssyncadd.s32 $0xFFFFC000  }
0x4a: {  	[tilespmem:s14], [sflag:$0x1] =	stream.indirect.gather [hbm4b:s5+s13], $0x80, s7, s13, $0xb8;
	[tilespmem:$0x1D000] =	vst v63  }
0x4b: {  	_ =	swait.ge [sflag:s17], $0x4000  }
0x4c: {  	[sflag:s17] =	ssyncset.done $0x0  }
0x4d: {  	s8 =	rddreg [dreg:$0xd];
	[sflag:s17] =	ssyncadd.s32 $0xFFFFC000  }
0x4e: {  	[spmem:s3] =	stream.indirect.scatter.add.f32 [tilespmem:s15], [sflag:$0x3], $0x80, s8, s13, $0xb8;
	[tilespmem:$0x1D000] =	vst v63  }
0x4f: {  	_ =	swait.ge [sflag:s10], $0x4000  }
0x50: {  	[sflag:s10] =	ssyncset.done $0x0  }
0x51: {  	s9 =	rddreg [dreg:$0xe];
	[sflag:s10] =	ssyncadd.s32 $0xFFFFC000  }
0x52: {  	[tilespmem:s15], [sflag:$0x2] =	stream.indirect.gather [hbm4b:s5+s13], $0x80, s9, s13, $0xb8;
	[tilespmem:$0x1D000] =	vst v63  }
0x53: {  	_ =	swait.ge [sflag:s16], $0x4000  }
0x54: {  	[sflag:s16] =	ssyncset.done $0x0  }
0x55: {  	s7 =	rddreg [dreg:$0xf];
	[sflag:s16] =	ssyncadd.s32 $0xFFFFC000  }
0x56: {  	[spmem:s3] =	stream.indirect.scatter.add.f32 [tilespmem:s14], [sflag:$0x3], $0x80, s7, s13, $0xb8;
	[tilespmem:$0x1D000] =	vst v63  }
0x57: {  	_ =	swait.ge [sflag:s10], $0x4000  }
0x58: {  	[sflag:s10] =	ssyncset.done $0x0  }
0x59: {  	s8 =	rddreg [dreg:$0x10];
	[sflag:s10] =	ssyncadd.s32 $0xFFFFC000  }
0x5a: {  	[tilespmem:s14], [sflag:$0x1] =	stream.indirect.gather [hbm4b:s5+s13], $0x80, s8, s13, $0xb8;
	[tilespmem:$0x1D000] =	vst v63  }
0x5b: {  	_ =	swait.ge [sflag:s17], $0x4000  }
0x5c: {  	[sflag:s17] =	ssyncset.done $0x0  }
0x5d: {  	s9 =	rddreg [dreg:$0x11];
	[sflag:s17] =	ssyncadd.s32 $0xFFFFC000  }
0x5e: {  	[spmem:s3] =	stream.indirect.scatter.add.f32 [tilespmem:s15], [sflag:$0x3], $0x80, s9, s13, $0xb8;
	[tilespmem:$0x1D000] =	vst v63  }
0x5f: {  	_ =	swait.ge [sflag:s10], $0x4000  }
0x60: {  	[sflag:s10] =	ssyncset.done $0x0  }
0x61: {  	s7 =	rddreg [dreg:$0x12];
	[sflag:s10] =	ssyncadd.s32 $0xFFFFC000  }
0x62: {  	[tilespmem:s15], [sflag:$0x2] =	stream.indirect.gather [hbm4b:s5+s13], $0x80, s7, s13, $0xb8;
	[tilespmem:$0x1D000] =	vst v63  }
0x63: {  	_ =	swait.ge [sflag:s16], $0x4000  }
0x64: {  	[sflag:s16] =	ssyncset.done $0x0  }
0x65: {  	s8 =	rddreg [dreg:$0x13];
	[sflag:s16] =	ssyncadd.s32 $0xFFFFC000  }
0x66: {  	[spmem:s3] =	stream.indirect.scatter.add.f32 [tilespmem:s14], [sflag:$0x3], $0x80, s8, s13, $0xb8;
	[tilespmem:$0x1D000] =	vst v63  }
0x67: {  	_ =	swait.ge [sflag:s10], $0x4000  }
0x68: {  	[sflag:s10] =	ssyncset.done $0x0  }
0x69: {  	s9 =	rddreg [dreg:$0x14];
	[sflag:s10] =	ssyncadd.s32 $0xFFFFC000  }
0x6a: {  	[tilespmem:s14], [sflag:$0x1] =	stream.indirect.gather [hbm4b:s5+s13], $0x80, s9, s13, $0xb8;
	[tilespmem:$0x1D000] =	vst v63  }
0x6b: {  	_ =	swait.ge [sflag:s17], $0x4000  }
0x6c: {  	[sflag:s17] =	ssyncset.done $0x0  }
0x6d: {  	[sflag:s17] =	ssyncadd.s32 $0xFFFFC000  }
0x6e: {  	[spmem:s3] =	stream.indirect.scatter.add.f32 [tilespmem:s15], [sflag:$0x3], $0x80, s18, s13, $0xb8;
	[tilespmem:$0x1D000] =	vst v63  }
0x6f: {  	_ =	swait.ge [sflag:s10], $0x4000  }
0x70: {  	[sflag:s10] =	ssyncset.done $0x0  }
0x71: {  	[sflag:s10] =	ssyncadd.s32 $0xFFFFC000  }
0x72: {  	[tilespmem:s15], [sflag:$0x2] =	stream.indirect.gather [hbm4b:s5+s13], $0x80, s19, s13, $0xb8;
	[tilespmem:$0x1D000] =	vst v63  }
0x73: {  	_ =	swait.ge [sflag:s16], $0x4000  }
0x74: {  	[sflag:s16] =	ssyncset.done $0x0  }
0x75: {  	[sflag:s16] =	ssyncadd.s32 $0xFFFFC000  }
0x76: {  	[spmem:s3] =	stream.indirect.scatter.add.f32 [tilespmem:s14], [sflag:$0x3], $0x80, s20, s13, $0xb8;
	[tilespmem:$0x1D000] =	vst v63  }
0x77: {  	_ =	swait.ge [sflag:s10], $0x4000  }
0x78: {  	[sflag:s10] =	ssyncset.done $0x0  }
0x79: {  	[sflag:s10] =	ssyncadd.s32 $0xFFFFC000  }
0x7a: {  	[tilespmem:s14], [sflag:$0x1] =	stream.indirect.gather [hbm4b:s5+s13], $0x80, s21, s13, $0xb8;
	[tilespmem:$0x1D000] =	vst v63  }
0x7b: {  	_ =	swait.ge [sflag:s17], $0x4000  }
0x7c: {  	[sflag:s17] =	ssyncset.done $0x0  }
0x7d: {  	[sflag:s17] =	ssyncadd.s32 $0xFFFFC000  }
0x7e: {  	[spmem:s3] =	stream.indirect.scatter.add.f32 [tilespmem:s15], [sflag:$0x3], $0x80, s22, s13, $0xb8;
	[tilespmem:$0x1D000] =	vst v63  }
0x7f: {  	_ =	swait.ge [sflag:s10], $0x4000  }
0x80: {  	[sflag:s10] =	ssyncset.done $0x0  }
0x81: {  	[sflag:s10] =	ssyncadd.s32 $0xFFFFC000  }
0x82: {  	[tilespmem:s15], [sflag:$0x2] =	stream.indirect.gather [hbm4b:s5+s13], $0x80, s23, s13, $0xb8;
	[tilespmem:$0x1D000] =	vst v63  }
0x83: {  	_ =	swait.ge [sflag:s16], $0x4000  }
0x84: {  	[sflag:s16] =	ssyncset.done $0x0  }
0x85: {  	[sflag:s16] =	ssyncadd.s32 $0xFFFFC000  }
0x86: {  	[spmem:s3] =	stream.indirect.scatter.add.f32 [tilespmem:s14], [sflag:$0x3], $0x80, s24, s13, $0xb8;
	[tilespmem:$0x1D000] =	vst v63  }
0x87: {  	_ =	swait.ge [sflag:s10], $0x4000  }
0x88: {  	[sflag:s10] =	ssyncset.done $0x0  }
0x89: {  	[sflag:s10] =	ssyncadd.s32 $0xFFFFC000  }
0x8a: {  	[tilespmem:s14], [sflag:$0x1] =	stream.indirect.gather [hbm4b:s5+s13], $0x80, s25, s13, $0xb8;
	[tilespmem:$0x1D000] =	vst v63  }
0x8b: {  	_ =	swait.ge [sflag:s17], $0x4000  }
0x8c: {  	[sflag:s17] =	ssyncset.done $0x0  }
0x8d: {  	[sflag:s17] =	ssyncadd.s32 $0xFFFFC000  }
0x8e: {  	[spmem:s3] =	stream.indirect.scatter.add.f32 [tilespmem:s15], [sflag:$0x3], $0x80, s26, s13, $0xb8;
	[tilespmem:$0x1D000] =	vst v63  }
0x8f: {  	_ =	swait.ge [sflag:s10], $0x4000  }
0x90: {  	[sflag:s10] =	ssyncset.done $0x0  }
0x91: {  	[sflag:s10] =	ssyncadd.s32 $0xFFFFC000  }
0x92: {  	[tilespmem:s15], [sflag:$0x2] =	stream.indirect.gather [hbm4b:s5+s13], $0x80, s28, s13, $0xb8;
	[tilespmem:$0x1D000] =	vst v63  }
0x93: {  	_ =	swait.ge [sflag:s16], $0x4000  }
0x94: {  	[sflag:s16] =	ssyncset.done $0x0  }
0x95: {  	[sflag:s16] =	ssyncadd.s32 $0xFFFFC000  }
0x96: {  	[spmem:s3] =	stream.indirect.scatter.add.f32 [tilespmem:s14], [sflag:$0x3], $0x80, s29, s13, $0xb8;
	[tilespmem:$0x1D000] =	vst v63  }
0x97: {  	_ =	swait.ge [sflag:s10], $0x4000  }
0x98: {  	[sflag:s10] =	ssyncset.done $0x0  }
0x99: {  	[sflag:s10] =	ssyncadd.s32 $0xFFFFC000  }
0x9a: {  	[tilespmem:s14], [sflag:$0x1] =	stream.indirect.gather [hbm4b:s5+s13], $0x80, s30, s13, $0xb8;
	[tilespmem:$0x1D000] =	vst v63  }
0x9b: {  	_ =	swait.ge [sflag:s17], $0x4000  }
0x9c: {  	[sflag:s17] =	ssyncset.done $0x0  }
0x9d: {  	[sflag:s17] =	ssyncadd.s32 $0xFFFFC000  }
0x9e: {  	[spmem:s3] =	stream.indirect.scatter.add.f32 [tilespmem:s15], [sflag:$0x3], $0x80, s31, s13, $0xb8;
	[tilespmem:$0x1D000] =	vst v63  }
0x9f: {  	_ =	swait.ge [sflag:s10], $0x4000  }
0xa0: {  	[sflag:s10] =	ssyncset.done $0x0  }
0xa1: {  	[sflag:s10] =	ssyncadd.s32 $0xFFFFC000  }
0xa2: {  	[tilespmem:s15], [sflag:$0x2] =	stream.indirect.gather [hbm4b:s5+s13], $0x80, s1, s13, $0xb8;
	[tilespmem:$0x1D000] =	vst v63  }
0xa3: {  	_ =	swait.ge [sflag:s16], $0x4000  }
0xa4: {  	[sflag:s16] =	ssyncset.done $0x0  }
0xa5: {  	[sflag:s16] =	ssyncadd.s32 $0xFFFFC000  }
0xa6: {  	[spmem:s3] =	stream.indirect.scatter.add.f32 [tilespmem:s14], [sflag:$0x3], $0x80, s0, s13, $0xb8;
	[tilespmem:$0x1D000] =	vst v63  }
0xa7: {  	_ =	swait.ge [sflag:s10], $0x4000  }
0xa8: {  	[sflag:s10] =	ssyncset.done $0x0  }
0xa9: {  	[sflag:s10] =	ssyncadd.s32 $0xFFFFC000  }
0xaa: {  	_ =	swait.ge [sflag:s17], $0x4000  }
0xab: {  	[sflag:s17] =	ssyncset.done $0x0  }
0xac: {  	[sflag:s17] =	ssyncadd.s32 $0xFFFFC000  }
0xad: {  	[spmem:s3] =	stream.indirect.scatter.add.f32 [tilespmem:s15], [sflag:$0x3], $0x80, s2, s13, $0xb8;
	[tilespmem:$0x1D000] =	vst v63  }
0xae: {  	s6 =	simm.s32 $0x200;
	_ =	swait.ge [sflag:s10], $0x4000  }
0xaf: {  	s8 =	simm.s32 $0x100;
	s9 =	rddreg [dreg:$0x6];
	[sflag:s10] =	ssyncset.done $0x0  }
.LBB2_2:
0xb0: {  	[sflag:s10] =	ssyncadd.s32 $0xFFFFC000;
	s9 =	sadd.s32 s8, s9  }
0xb1: {  	[tilespmem:s11], [sflag:$0x3] =	stream.linear.gather [hbm4b:s9+s4], $0x800, $0x38;
	[tilespmem:$0x1D000] =	vst v63  }
0xb2: {  	_ =	swait.ge [sflag:s10], $0x800  }
0xb3: {  	s9 =	rddreg [dreg:$0x5];
	[sflag:s10] =	ssyncset.done $0x0  }
0xb4: {  	[sflag:s10] =	ssyncadd.s32 $0xFFFFF800;
	s9 =	sadd.s32 s8, s9  }
0xb5: {  	[tilespmem:s12], [sflag:$0x3] =	stream.linear.gather [hbm4b:s9+s4], $0x800, $0x38;
	[tilespmem:$0x1D000] =	vst v63  }
0xb6: {  	_ =	swait.ge [sflag:s10], $0x800  }
0xb7: {  	[sflag:s10] =	ssyncset.done $0x0  }
0xb8: {  	[sflag:s10] =	ssyncadd.s32 $0xFFFFF800  }
0xb9: {  	[tilespmem:s14], [sflag:$0x1] =	stream.indirect.gather [hbm4b:s5+s13], $0x80, s11, s13, $0xb8;
	[tilespmem:$0x1D000] =	vst v63  }
0xba: {  	s9 =	rddreg [dreg:$0x7]  }
0xbb: {  	[tilespmem:s15], [sflag:$0x2] =	stream.indirect.gather [hbm4b:s5+s13], $0x80, s9, s13, $0xb8;
	[tilespmem:$0x1D000] =	vst v63  }
0xbc: {  	_ =	swait.ge [sflag:s16], $0x4000  }
0xbd: {  	[sflag:s16] =	ssyncset.done $0x0  }
0xbe: {  	[sflag:s16] =	ssyncadd.s32 $0xFFFFC000  }
0xbf: {  	[spmem:s3] =	stream.indirect.scatter.add.f32 [tilespmem:s14], [sflag:$0x3], $0x80, s12, s13, $0xb8;
	[tilespmem:$0x1D000] =	vst v63  }
0xc0: {  	_ =	swait.ge [sflag:s10], $0x4000  }
0xc1: {  	[sflag:s10] =	ssyncset.done $0x0  }
0xc2: {  	s9 =	rddreg [dreg:$0x8];
	[sflag:s10] =	ssyncadd.s32 $0xFFFFC000  }
0xc3: {  	[tilespmem:s14], [sflag:$0x1] =	stream.indirect.gather [hbm4b:s5+s13], $0x80, s9, s13, $0xb8;
	[tilespmem:$0x1D000] =	vst v63  }
0xc4: {  	_ =	swait.ge [sflag:s17], $0x4000  }
0xc5: {  	[sflag:s17] =	ssyncset.done $0x0  }
0xc6: {  	s9 =	rddreg [dreg:$0x9];
	[sflag:s17] =	ssyncadd.s32 $0xFFFFC000  }
0xc7: {  	[spmem:s3] =	stream.indirect.scatter.add.f32 [tilespmem:s15], [sflag:$0x3], $0x80, s9, s13, $0xb8;
	[tilespmem:$0x1D000] =	vst v63  }
0xc8: {  	_ =	swait.ge [sflag:s10], $0x4000  }
0xc9: {  	[sflag:s10] =	ssyncset.done $0x0  }
0xca: {  	s9 =	rddreg [dreg:$0xa];
	[sflag:s10] =	ssyncadd.s32 $0xFFFFC000  }
0xcb: {  	[tilespmem:s15], [sflag:$0x2] =	stream.indirect.gather [hbm4b:s5+s13], $0x80, s9, s13, $0xb8;
	[tilespmem:$0x1D000] =	vst v63  }
0xcc: {  	_ =	swait.ge [sflag:s16], $0x4000  }
0xcd: {  	[sflag:s16] =	ssyncset.done $0x0  }
0xce: {  	s9 =	rddreg [dreg:$0xb];
	[sflag:s16] =	ssyncadd.s32 $0xFFFFC000  }
0xcf: {  	[spmem:s3] =	stream.indirect.scatter.add.f32 [tilespmem:s14], [sflag:$0x3], $0x80, s9, s13, $0xb8;
	[tilespmem:$0x1D000] =	vst v63  }
0xd0: {  	_ =	swait.ge [sflag:s10], $0x4000  }
0xd1: {  	[sflag:s10] =	ssyncset.done $0x0  }
0xd2: {  	s9 =	rddreg [dreg:$0xc];
	[sflag:s10] =	ssyncadd.s32 $0xFFFFC000  }
0xd3: {  	[tilespmem:s14], [sflag:$0x1] =	stream.indirect.gather [hbm4b:s5+s13], $0x80, s9, s13, $0xb8;
	[tilespmem:$0x1D000] =	vst v63  }
0xd4: {  	_ =	swait.ge [sflag:s17], $0x4000  }
0xd5: {  	[sflag:s17] =	ssyncset.done $0x0  }
0xd6: {  	s9 =	rddreg [dreg:$0xd];
	[sflag:s17] =	ssyncadd.s32 $0xFFFFC000  }
0xd7: {  	[spmem:s3] =	stream.indirect.scatter.add.f32 [tilespmem:s15], [sflag:$0x3], $0x80, s9, s13, $0xb8;
	[tilespmem:$0x1D000] =	vst v63  }
0xd8: {  	_ =	swait.ge [sflag:s10], $0x4000  }
0xd9: {  	[sflag:s10] =	ssyncset.done $0x0  }
0xda: {  	s9 =	rddreg [dreg:$0xe];
	[sflag:s10] =	ssyncadd.s32 $0xFFFFC000  }
0xdb: {  	[tilespmem:s15], [sflag:$0x2] =	stream.indirect.gather [hbm4b:s5+s13], $0x80, s9, s13, $0xb8;
	[tilespmem:$0x1D000] =	vst v63  }
0xdc: {  	_ =	swait.ge [sflag:s16], $0x4000  }
0xdd: {  	[sflag:s16] =	ssyncset.done $0x0  }
0xde: {  	s9 =	rddreg [dreg:$0xf];
	[sflag:s16] =	ssyncadd.s32 $0xFFFFC000  }
0xdf: {  	[spmem:s3] =	stream.indirect.scatter.add.f32 [tilespmem:s14], [sflag:$0x3], $0x80, s9, s13, $0xb8;
	[tilespmem:$0x1D000] =	vst v63  }
0xe0: {  	_ =	swait.ge [sflag:s10], $0x4000  }
0xe1: {  	[sflag:s10] =	ssyncset.done $0x0  }
0xe2: {  	s9 =	rddreg [dreg:$0x10];
	[sflag:s10] =	ssyncadd.s32 $0xFFFFC000  }
0xe3: {  	[tilespmem:s14], [sflag:$0x1] =	stream.indirect.gather [hbm4b:s5+s13], $0x80, s9, s13, $0xb8;
	[tilespmem:$0x1D000] =	vst v63  }
0xe4: {  	_ =	swait.ge [sflag:s17], $0x4000  }
0xe5: {  	[sflag:s17] =	ssyncset.done $0x0  }
0xe6: {  	s9 =	rddreg [dreg:$0x11];
	[sflag:s17] =	ssyncadd.s32 $0xFFFFC000  }
0xe7: {  	[spmem:s3] =	stream.indirect.scatter.add.f32 [tilespmem:s15], [sflag:$0x3], $0x80, s9, s13, $0xb8;
	[tilespmem:$0x1D000] =	vst v63  }
0xe8: {  	_ =	swait.ge [sflag:s10], $0x4000  }
0xe9: {  	[sflag:s10] =	ssyncset.done $0x0  }
0xea: {  	s9 =	rddreg [dreg:$0x12];
	[sflag:s10] =	ssyncadd.s32 $0xFFFFC000  }
0xeb: {  	[tilespmem:s15], [sflag:$0x2] =	stream.indirect.gather [hbm4b:s5+s13], $0x80, s9, s13, $0xb8;
	[tilespmem:$0x1D000] =	vst v63  }
0xec: {  	_ =	swait.ge [sflag:s16], $0x4000  }
0xed: {  	[sflag:s16] =	ssyncset.done $0x0  }
0xee: {  	s9 =	rddreg [dreg:$0x13];
	[sflag:s16] =	ssyncadd.s32 $0xFFFFC000  }
0xef: {  	[spmem:s3] =	stream.indirect.scatter.add.f32 [tilespmem:s14], [sflag:$0x3], $0x80, s9, s13, $0xb8;
	[tilespmem:$0x1D000] =	vst v63  }
0xf0: {  	_ =	swait.ge [sflag:s10], $0x4000  }
0xf1: {  	[sflag:s10] =	ssyncset.done $0x0  }
0xf2: {  	s9 =	rddreg [dreg:$0x14];
	[sflag:s10] =	ssyncadd.s32 $0xFFFFC000  }
0xf3: {  	[tilespmem:s14], [sflag:$0x1] =	stream.indirect.gather [hbm4b:s5+s13], $0x80, s9, s13, $0xb8;
	[tilespmem:$0x1D000] =	vst v63  }
0xf4: {  	_ =	swait.ge [sflag:s17], $0x4000  }
0xf5: {  	[sflag:s17] =	ssyncset.done $0x0  }
0xf6: {  	[sflag:s17] =	ssyncadd.s32 $0xFFFFC000  }
0xf7: {  	[spmem:s3] =	stream.indirect.scatter.add.f32 [tilespmem:s15], [sflag:$0x3], $0x80, s18, s13, $0xb8;
	[tilespmem:$0x1D000] =	vst v63  }
0xf8: {  	_ =	swait.ge [sflag:s10], $0x4000  }
0xf9: {  	[sflag:s10] =	ssyncset.done $0x0  }
0xfa: {  	[sflag:s10] =	ssyncadd.s32 $0xFFFFC000  }
0xfb: {  	[tilespmem:s15], [sflag:$0x2] =	stream.indirect.gather [hbm4b:s5+s13], $0x80, s19, s13, $0xb8;
	[tilespmem:$0x1D000] =	vst v63  }
0xfc: {  	_ =	swait.ge [sflag:s16], $0x4000  }
0xfd: {  	[sflag:s16] =	ssyncset.done $0x0  }
0xfe: {  	[sflag:s16] =	ssyncadd.s32 $0xFFFFC000  }
0xff: {  	[spmem:s3] =	stream.indirect.scatter.add.f32 [tilespmem:s14], [sflag:$0x3], $0x80, s20, s13, $0xb8;
	[tilespmem:$0x1D000] =	vst v63  }
0x100: {  	_ =	swait.ge [sflag:s10], $0x4000  }
0x101: {  	[sflag:s10] =	ssyncset.done $0x0  }
0x102: {  	[sflag:s10] =	ssyncadd.s32 $0xFFFFC000  }
0x103: {  	[tilespmem:s14], [sflag:$0x1] =	stream.indirect.gather [hbm4b:s5+s13], $0x80, s21, s13, $0xb8;
	[tilespmem:$0x1D000] =	vst v63  }
0x104: {  	_ =	swait.ge [sflag:s17], $0x4000  }
0x105: {  	[sflag:s17] =	ssyncset.done $0x0  }
0x106: {  	[sflag:s17] =	ssyncadd.s32 $0xFFFFC000  }
0x107: {  	[spmem:s3] =	stream.indirect.scatter.add.f32 [tilespmem:s15], [sflag:$0x3], $0x80, s22, s13, $0xb8;
	[tilespmem:$0x1D000] =	vst v63  }
0x108: {  	_ =	swait.ge [sflag:s10], $0x4000  }
0x109: {  	[sflag:s10] =	ssyncset.done $0x0  }
0x10a: {  	[sflag:s10] =	ssyncadd.s32 $0xFFFFC000  }
0x10b: {  	[tilespmem:s15], [sflag:$0x2] =	stream.indirect.gather [hbm4b:s5+s13], $0x80, s23, s13, $0xb8;
	[tilespmem:$0x1D000] =	vst v63  }
0x10c: {  	_ =	swait.ge [sflag:s16], $0x4000  }
0x10d: {  	[sflag:s16] =	ssyncset.done $0x0  }
0x10e: {  	[sflag:s16] =	ssyncadd.s32 $0xFFFFC000  }
0x10f: {  	[spmem:s3] =	stream.indirect.scatter.add.f32 [tilespmem:s14], [sflag:$0x3], $0x80, s24, s13, $0xb8;
	[tilespmem:$0x1D000] =	vst v63  }
0x110: {  	_ =	swait.ge [sflag:s10], $0x4000  }
0x111: {  	[sflag:s10] =	ssyncset.done $0x0  }
0x112: {  	[sflag:s10] =	ssyncadd.s32 $0xFFFFC000  }
0x113: {  	[tilespmem:s14], [sflag:$0x1] =	stream.indirect.gather [hbm4b:s5+s13], $0x80, s25, s13, $0xb8;
	[tilespmem:$0x1D000] =	vst v63  }
0x114: {  	_ =	swait.ge [sflag:s17], $0x4000  }
0x115: {  	[sflag:s17] =	ssyncset.done $0x0  }
0x116: {  	[sflag:s17] =	ssyncadd.s32 $0xFFFFC000  }
0x117: {  	[spmem:s3] =	stream.indirect.scatter.add.f32 [tilespmem:s15], [sflag:$0x3], $0x80, s26, s13, $0xb8;
	[tilespmem:$0x1D000] =	vst v63  }
0x118: {  	_ =	swait.ge [sflag:s10], $0x4000  }
0x119: {  	[sflag:s10] =	ssyncset.done $0x0  }
0x11a: {  	[sflag:s10] =	ssyncadd.s32 $0xFFFFC000  }
0x11b: {  	[tilespmem:s15], [sflag:$0x2] =	stream.indirect.gather [hbm4b:s5+s13], $0x80, s28, s13, $0xb8;
	[tilespmem:$0x1D000] =	vst v63  }
0x11c: {  	_ =	swait.ge [sflag:s16], $0x4000  }
0x11d: {  	[sflag:s16] =	ssyncset.done $0x0  }
0x11e: {  	[sflag:s16] =	ssyncadd.s32 $0xFFFFC000  }
0x11f: {  	[spmem:s3] =	stream.indirect.scatter.add.f32 [tilespmem:s14], [sflag:$0x3], $0x80, s29, s13, $0xb8;
	[tilespmem:$0x1D000] =	vst v63  }
0x120: {  	_ =	swait.ge [sflag:s10], $0x4000  }
0x121: {  	[sflag:s10] =	ssyncset.done $0x0  }
0x122: {  	[sflag:s10] =	ssyncadd.s32 $0xFFFFC000  }
0x123: {  	[tilespmem:s14], [sflag:$0x1] =	stream.indirect.gather [hbm4b:s5+s13], $0x80, s30, s13, $0xb8;
	[tilespmem:$0x1D000] =	vst v63  }
0x124: {  	_ =	swait.ge [sflag:s17], $0x4000  }
0x125: {  	[sflag:s17] =	ssyncset.done $0x0  }
0x126: {  	[sflag:s17] =	ssyncadd.s32 $0xFFFFC000  }
0x127: {  	[spmem:s3] =	stream.indirect.scatter.add.f32 [tilespmem:s15], [sflag:$0x3], $0x80, s31, s13, $0xb8;
	[tilespmem:$0x1D000] =	vst v63  }
0x128: {  	_ =	swait.ge [sflag:s10], $0x4000  }
0x129: {  	[sflag:s10] =	ssyncset.done $0x0  }
0x12a: {  	[sflag:s10] =	ssyncadd.s32 $0xFFFFC000  }
0x12b: {  	[tilespmem:s15], [sflag:$0x2] =	stream.indirect.gather [hbm4b:s5+s13], $0x80, s1, s13, $0xb8;
	[tilespmem:$0x1D000] =	vst v63  }
0x12c: {  	_ =	swait.ge [sflag:s16], $0x4000  }
0x12d: {  	[sflag:s16] =	ssyncset.done $0x0  }
0x12e: {  	[sflag:s16] =	ssyncadd.s32 $0xFFFFC000  }
0x12f: {  	[spmem:s3] =	stream.indirect.scatter.add.f32 [tilespmem:s14], [sflag:$0x3], $0x80, s0, s13, $0xb8;
	[tilespmem:$0x1D000] =	vst v63  }
0x130: {  	_ =	swait.ge [sflag:s10], $0x4000  }
0x131: {  	[sflag:s10] =	ssyncset.done $0x0  }
0x132: {  	[sflag:s10] =	ssyncadd.s32 $0xFFFFC000  }
0x133: {  	p0 =	sne.s32 s6, $0x400;
	_ =	swait.ge [sflag:s17], $0x4000  }
.Ltmp0:
0x134: {  	[sflag:s17] =	ssyncset.done $0x0;
	(pc) =	sbr.rel @p0 .LBB2_2-.Ltmp0, $4  }
0x135: {  	[sflag:s17] =	ssyncadd.s32 $0xFFFFC000  }
0x136: {  	[spmem:s3] =	stream.indirect.scatter.add.f32 [tilespmem:s15], [sflag:$0x3], $0x80, s2, s13, $0xb8;
	[tilespmem:$0x1D000] =	vst v63  }
0x137: {  	s7 =	smov.u32 s6;
	s6 =	sadd.s32 $0x100, s6;
	_ =	swait.ge [sflag:s10], $0x4000  }
0x138: {  	s8 =	smov.u32 s7;
	s9 =	rddreg [dreg:$0x6];
	[sflag:s10] =	ssyncset.done $0x0  }
0x139: {  	[sflag:s10] =	ssyncadd.s32 $0xFFFFC000;
	s6 =	sadd.s32 s8, s9  }
0x13a: {  	[tilespmem:s11], [sflag:$0x3] =	stream.linear.gather [hbm4b:s6+s4], $0x800, $0x38;
	[tilespmem:$0x1D000] =	vst v63  }
0x13b: {  	_ =	swait.ge [sflag:s10], $0x800  }
0x13c: {  	s9 =	rddreg [dreg:$0x5];
	[sflag:s10] =	ssyncset.done $0x0  }
0x13d: {  	s6 =	sadd.s32 s8, s9;
	[sflag:s10] =	ssyncadd.s32 $0xFFFFF800  }
0x13e: {  	[tilespmem:s12], [sflag:$0x3] =	stream.linear.gather [hbm4b:s6+s4], $0x800, $0x38;
	[tilespmem:$0x1D000] =	vst v63  }
0x13f: {  	_ =	swait.ge [sflag:s10], $0x800  }
0x140: {  	[sflag:s10] =	ssyncset.done $0x0  }
0x141: {  	[sflag:s10] =	ssyncadd.s32 $0xFFFFF800  }
0x142: {  	[tilespmem:s14], [sflag:$0x1] =	stream.indirect.gather [hbm4b:s5+s13], $0x80, s11, s13, $0xb8;
	[tilespmem:$0x1D000] =	vst v63  }
0x143: {  	s7 =	rddreg [dreg:$0x7]  }
0x144: {  	[tilespmem:s15], [sflag:$0x2] =	stream.indirect.gather [hbm4b:s5+s13], $0x80, s7, s13, $0xb8;
	[tilespmem:$0x1D000] =	vst v63  }
0x145: {  	_ =	swait.ge [sflag:s16], $0x4000  }
0x146: {  	[sflag:s16] =	ssyncset.done $0x0  }
0x147: {  	[sflag:s16] =	ssyncadd.s32 $0xFFFFC000  }
0x148: {  	[spmem:s3] =	stream.indirect.scatter.add.f32 [tilespmem:s14], [sflag:$0x3], $0x80, s12, s13, $0xb8;
	[tilespmem:$0x1D000] =	vst v63  }
0x149: {  	_ =	swait.ge [sflag:s10], $0x4000  }
0x14a: {  	[sflag:s10] =	ssyncset.done $0x0  }
0x14b: {  	s8 =	rddreg [dreg:$0x8];
	[sflag:s10] =	ssyncadd.s32 $0xFFFFC000  }
0x14c: {  	[tilespmem:s14], [sflag:$0x1] =	stream.indirect.gather [hbm4b:s5+s13], $0x80, s8, s13, $0xb8;
	[tilespmem:$0x1D000] =	vst v63  }
0x14d: {  	_ =	swait.ge [sflag:s17], $0x4000  }
0x14e: {  	[sflag:s17] =	ssyncset.done $0x0  }
0x14f: {  	s9 =	rddreg [dreg:$0x9];
	[sflag:s17] =	ssyncadd.s32 $0xFFFFC000  }
0x150: {  	[spmem:s3] =	stream.indirect.scatter.add.f32 [tilespmem:s15], [sflag:$0x3], $0x80, s9, s13, $0xb8;
	[tilespmem:$0x1D000] =	vst v63  }
0x151: {  	_ =	swait.ge [sflag:s10], $0x4000  }
0x152: {  	[sflag:s10] =	ssyncset.done $0x0  }
0x153: {  	s7 =	rddreg [dreg:$0xa];
	[sflag:s10] =	ssyncadd.s32 $0xFFFFC000  }
0x154: {  	[tilespmem:s15], [sflag:$0x2] =	stream.indirect.gather [hbm4b:s5+s13], $0x80, s7, s13, $0xb8;
	[tilespmem:$0x1D000] =	vst v63  }
0x155: {  	_ =	swait.ge [sflag:s16], $0x4000  }
0x156: {  	[sflag:s16] =	ssyncset.done $0x0  }
0x157: {  	s8 =	rddreg [dreg:$0xb];
	[sflag:s16] =	ssyncadd.s32 $0xFFFFC000  }
0x158: {  	[spmem:s3] =	stream.indirect.scatter.add.f32 [tilespmem:s14], [sflag:$0x3], $0x80, s8, s13, $0xb8;
	[tilespmem:$0x1D000] =	vst v63  }
0x159: {  	_ =	swait.ge [sflag:s10], $0x4000  }
0x15a: {  	[sflag:s10] =	ssyncset.done $0x0  }
0x15b: {  	s9 =	rddreg [dreg:$0xc];
	[sflag:s10] =	ssyncadd.s32 $0xFFFFC000  }
0x15c: {  	[tilespmem:s14], [sflag:$0x1] =	stream.indirect.gather [hbm4b:s5+s13], $0x80, s9, s13, $0xb8;
	[tilespmem:$0x1D000] =	vst v63  }
0x15d: {  	_ =	swait.ge [sflag:s17], $0x4000  }
0x15e: {  	[sflag:s17] =	ssyncset.done $0x0  }
0x15f: {  	s7 =	rddreg [dreg:$0xd];
	[sflag:s17] =	ssyncadd.s32 $0xFFFFC000  }
0x160: {  	[spmem:s3] =	stream.indirect.scatter.add.f32 [tilespmem:s15], [sflag:$0x3], $0x80, s7, s13, $0xb8;
	[tilespmem:$0x1D000] =	vst v63  }
0x161: {  	_ =	swait.ge [sflag:s10], $0x4000  }
0x162: {  	[sflag:s10] =	ssyncset.done $0x0  }
0x163: {  	s8 =	rddreg [dreg:$0xe];
	[sflag:s10] =	ssyncadd.s32 $0xFFFFC000  }
0x164: {  	[tilespmem:s15], [sflag:$0x2] =	stream.indirect.gather [hbm4b:s5+s13], $0x80, s8, s13, $0xb8;
	[tilespmem:$0x1D000] =	vst v63  }
0x165: {  	_ =	swait.ge [sflag:s16], $0x4000  }
0x166: {  	[sflag:s16] =	ssyncset.done $0x0  }
0x167: {  	s9 =	rddreg [dreg:$0xf];
	[sflag:s16] =	ssyncadd.s32 $0xFFFFC000  }
0x168: {  	[spmem:s3] =	stream.indirect.scatter.add.f32 [tilespmem:s14], [sflag:$0x3], $0x80, s9, s13, $0xb8;
	[tilespmem:$0x1D000] =	vst v63  }
0x169: {  	_ =	swait.ge [sflag:s10], $0x4000  }
0x16a: {  	[sflag:s10] =	ssyncset.done $0x0  }
0x16b: {  	s7 =	rddreg [dreg:$0x10];
	[sflag:s10] =	ssyncadd.s32 $0xFFFFC000  }
0x16c: {  	[tilespmem:s14], [sflag:$0x1] =	stream.indirect.gather [hbm4b:s5+s13], $0x80, s7, s13, $0xb8;
	[tilespmem:$0x1D000] =	vst v63  }
0x16d: {  	_ =	swait.ge [sflag:s17], $0x4000  }
0x16e: {  	[sflag:s17] =	ssyncset.done $0x0  }
0x16f: {  	s8 =	rddreg [dreg:$0x11];
	[sflag:s17] =	ssyncadd.s32 $0xFFFFC000  }
0x170: {  	[spmem:s3] =	stream.indirect.scatter.add.f32 [tilespmem:s15], [sflag:$0x3], $0x80, s8, s13, $0xb8;
	[tilespmem:$0x1D000] =	vst v63  }
0x171: {  	_ =	swait.ge [sflag:s10], $0x4000  }
0x172: {  	[sflag:s10] =	ssyncset.done $0x0  }
0x173: {  	s9 =	rddreg [dreg:$0x12];
	[sflag:s10] =	ssyncadd.s32 $0xFFFFC000  }
0x174: {  	[tilespmem:s15], [sflag:$0x2] =	stream.indirect.gather [hbm4b:s5+s13], $0x80, s9, s13, $0xb8;
	[tilespmem:$0x1D000] =	vst v63  }
0x175: {  	_ =	swait.ge [sflag:s16], $0x4000  }
0x176: {  	[sflag:s16] =	ssyncset.done $0x0  }
0x177: {  	s7 =	rddreg [dreg:$0x13];
	[sflag:s16] =	ssyncadd.s32 $0xFFFFC000  }
0x178: {  	[spmem:s3] =	stream.indirect.scatter.add.f32 [tilespmem:s14], [sflag:$0x3], $0x80, s7, s13, $0xb8;
	[tilespmem:$0x1D000] =	vst v63  }
0x179: {  	_ =	swait.ge [sflag:s10], $0x4000  }
0x17a: {  	[sflag:s10] =	ssyncset.done $0x0  }
0x17b: {  	s8 =	rddreg [dreg:$0x14];
	[sflag:s10] =	ssyncadd.s32 $0xFFFFC000  }
0x17c: {  	[tilespmem:s14], [sflag:$0x1] =	stream.indirect.gather [hbm4b:s5+s13], $0x80, s8, s13, $0xb8;
	[tilespmem:$0x1D000] =	vst v63  }
0x17d: {  	_ =	swait.ge [sflag:s17], $0x4000  }
0x17e: {  	[sflag:s17] =	ssyncset.done $0x0  }
0x17f: {  	[sflag:s17] =	ssyncadd.s32 $0xFFFFC000  }
0x180: {  	[spmem:s3] =	stream.indirect.scatter.add.f32 [tilespmem:s15], [sflag:$0x3], $0x80, s18, s13, $0xb8;
	[tilespmem:$0x1D000] =	vst v63  }
0x181: {  	_ =	swait.ge [sflag:s10], $0x4000  }
0x182: {  	[sflag:s10] =	ssyncset.done $0x0  }
0x183: {  	[sflag:s10] =	ssyncadd.s32 $0xFFFFC000  }
0x184: {  	[tilespmem:s15], [sflag:$0x2] =	stream.indirect.gather [hbm4b:s5+s13], $0x80, s19, s13, $0xb8;
	[tilespmem:$0x1D000] =	vst v63  }
0x185: {  	_ =	swait.ge [sflag:s16], $0x4000  }
0x186: {  	[sflag:s16] =	ssyncset.done $0x0  }
0x187: {  	[sflag:s16] =	ssyncadd.s32 $0xFFFFC000  }
0x188: {  	[spmem:s3] =	stream.indirect.scatter.add.f32 [tilespmem:s14], [sflag:$0x3], $0x80, s20, s13, $0xb8;
	[tilespmem:$0x1D000] =	vst v63  }
0x189: {  	_ =	swait.ge [sflag:s10], $0x4000  }
0x18a: {  	[sflag:s10] =	ssyncset.done $0x0  }
0x18b: {  	[sflag:s10] =	ssyncadd.s32 $0xFFFFC000  }
0x18c: {  	[tilespmem:s14], [sflag:$0x1] =	stream.indirect.gather [hbm4b:s5+s13], $0x80, s21, s13, $0xb8;
	[tilespmem:$0x1D000] =	vst v63  }
0x18d: {  	_ =	swait.ge [sflag:s17], $0x4000  }
0x18e: {  	[sflag:s17] =	ssyncset.done $0x0  }
0x18f: {  	[sflag:s17] =	ssyncadd.s32 $0xFFFFC000  }
0x190: {  	[spmem:s3] =	stream.indirect.scatter.add.f32 [tilespmem:s15], [sflag:$0x3], $0x80, s22, s13, $0xb8;
	[tilespmem:$0x1D000] =	vst v63  }
0x191: {  	_ =	swait.ge [sflag:s10], $0x4000  }
0x192: {  	[sflag:s10] =	ssyncset.done $0x0  }
0x193: {  	[sflag:s10] =	ssyncadd.s32 $0xFFFFC000  }
0x194: {  	[tilespmem:s15], [sflag:$0x2] =	stream.indirect.gather [hbm4b:s5+s13], $0x80, s23, s13, $0xb8;
	[tilespmem:$0x1D000] =	vst v63  }
0x195: {  	_ =	swait.ge [sflag:s16], $0x4000  }
0x196: {  	[sflag:s16] =	ssyncset.done $0x0  }
0x197: {  	[sflag:s16] =	ssyncadd.s32 $0xFFFFC000  }
0x198: {  	[spmem:s3] =	stream.indirect.scatter.add.f32 [tilespmem:s14], [sflag:$0x3], $0x80, s24, s13, $0xb8;
	[tilespmem:$0x1D000] =	vst v63  }
0x199: {  	_ =	swait.ge [sflag:s10], $0x4000  }
0x19a: {  	[sflag:s10] =	ssyncset.done $0x0  }
0x19b: {  	[sflag:s10] =	ssyncadd.s32 $0xFFFFC000  }
0x19c: {  	[tilespmem:s14], [sflag:$0x1] =	stream.indirect.gather [hbm4b:s5+s13], $0x80, s25, s13, $0xb8;
	[tilespmem:$0x1D000] =	vst v63  }
0x19d: {  	_ =	swait.ge [sflag:s17], $0x4000  }
0x19e: {  	[sflag:s17] =	ssyncset.done $0x0  }
0x19f: {  	[sflag:s17] =	ssyncadd.s32 $0xFFFFC000  }
0x1a0: {  	[spmem:s3] =	stream.indirect.scatter.add.f32 [tilespmem:s15], [sflag:$0x3], $0x80, s26, s13, $0xb8;
	[tilespmem:$0x1D000] =	vst v63  }
0x1a1: {  	_ =	swait.ge [sflag:s10], $0x4000  }
0x1a2: {  	[sflag:s10] =	ssyncset.done $0x0  }
0x1a3: {  	[sflag:s10] =	ssyncadd.s32 $0xFFFFC000  }
0x1a4: {  	[tilespmem:s15], [sflag:$0x2] =	stream.indirect.gather [hbm4b:s5+s13], $0x80, s28, s13, $0xb8;
	[tilespmem:$0x1D000] =	vst v63  }
0x1a5: {  	_ =	swait.ge [sflag:s16], $0x4000  }
0x1a6: {  	[sflag:s16] =	ssyncset.done $0x0  }
0x1a7: {  	[sflag:s16] =	ssyncadd.s32 $0xFFFFC000  }
0x1a8: {  	[spmem:s3] =	stream.indirect.scatter.add.f32 [tilespmem:s14], [sflag:$0x3], $0x80, s29, s13, $0xb8;
	[tilespmem:$0x1D000] =	vst v63  }
0x1a9: {  	_ =	swait.ge [sflag:s10], $0x4000  }
0x1aa: {  	[sflag:s10] =	ssyncset.done $0x0  }
0x1ab: {  	[sflag:s10] =	ssyncadd.s32 $0xFFFFC000  }
0x1ac: {  	[tilespmem:s14], [sflag:$0x1] =	stream.indirect.gather [hbm4b:s5+s13], $0x80, s30, s13, $0xb8;
	[tilespmem:$0x1D000] =	vst v63  }
0x1ad: {  	_ =	swait.ge [sflag:s17], $0x4000  }
0x1ae: {  	[sflag:s17] =	ssyncset.done $0x0  }
0x1af: {  	[sflag:s17] =	ssyncadd.s32 $0xFFFFC000  }
0x1b0: {  	[spmem:s3] =	stream.indirect.scatter.add.f32 [tilespmem:s15], [sflag:$0x3], $0x80, s31, s13, $0xb8;
	[tilespmem:$0x1D000] =	vst v63  }
0x1b1: {  	_ =	swait.ge [sflag:s10], $0x4000  }
0x1b2: {  	[sflag:s10] =	ssyncset.done $0x0  }
0x1b3: {  	[sflag:s10] =	ssyncadd.s32 $0xFFFFC000  }
0x1b4: {  	[tilespmem:s15], [sflag:$0x2] =	stream.indirect.gather [hbm4b:s5+s13], $0x80, s1, s13, $0xb8;
	[tilespmem:$0x1D000] =	vst v63  }
0x1b5: {  	_ =	swait.ge [sflag:s16], $0x4000  }
0x1b6: {  	[sflag:s16] =	ssyncset.done $0x0  }
0x1b7: {  	[sflag:s16] =	ssyncadd.s32 $0xFFFFC000  }
0x1b8: {  	[spmem:s3] =	stream.indirect.scatter.add.f32 [tilespmem:s14], [sflag:$0x3], $0x80, s0, s13, $0xb8;
	[tilespmem:$0x1D000] =	vst v63  }
0x1b9: {  	_ =	swait.ge [sflag:s10], $0x4000  }
0x1ba: {  	[sflag:s10] =	ssyncset.done $0x0  }
0x1bb: {  	[sflag:s10] =	ssyncadd.s32 $0xFFFFC000  }
0x1bc: {  	_ =	swait.ge [sflag:s17], $0x4000  }
0x1bd: {  	[sflag:s17] =	ssyncset.done $0x0  }
0x1be: {  	[sflag:s17] =	ssyncadd.s32 $0xFFFFC000  }
0x1bf: {  	[spmem:s3] =	stream.indirect.scatter.add.f32 [tilespmem:s15], [sflag:$0x3], $0x80, s2, s13, $0xb8;
	[tilespmem:$0x1D000] =	vst v63  }
0x1c0: {  	_ =	swait.ge [sflag:s10], $0x4000  }
0x1c1: {  	[sflag:s10] =	ssyncset.done $0x0  }
0x1c2: {  	[sflag:s10] =	ssyncadd.s32 $0xFFFFC000  }
0x1c3: {  	[bflag:$0x0] =	sbarrier.arrive $0xFFFF  }
0x1c4: {  	s7 =	rddreg [dreg:$0x15]  }
0x1c5: {  	s9 =	rddreg [dreg:$0x16]  }
0x1c6: {  	s8 =	rddreg [dreg:$0x18]  }
0x1c7: {  	[hbm:s9], [sflag:s7] =	dma.local [spmem:s8], $0x2800  }
0x1c8: {  	_ =	swait.ge [sflag:s10], $0x2800  }
0x1c9: {  	s6 =	rddreg [dreg:$0x19]  }
0x1ca: {  	s9 =	sadd.s32 $0x1, s6;
	s6 =	rddreg [dreg:$0x17]  }
0x1cb: {  	p0 =	sne.s32 s9, s6  }
.Ltmp1:
0x1cc: {  	_ = 	snop;
	(pc) =	sbr.rel @p0 .LBB2_1-.Ltmp1, $3  }
0x1cd: {  	_ =	sdelay $0x1  }
0x1ce: {  	[sflag:s10] =	ssyncset.done $0x0  }
0x1cf: {  	[sflag:s10] =	ssyncadd.s32 $0xFFFFD800  }
0x1d0: {  	_ =	sfence.sel $0x180000  }
0x1d1: {  	[bflag:$0x0] =	sbarrier.arrive $0xFFFF  }
0x1d2: {  	_ =	strace $0x9000004A  }
0x1d3: {  	s0 =	stileid.u32;
	[bflag:$0x2] =	sbarrier.arrive $0xFFFF  }
0x1d4: {  	p0 =	sne.s32 s0, $0x0;
	s0 =	rddreg [dreg:$0x4]  }
0x1d5: {  	s0 =	sadd.s32 @!p0 $0x100000, s0  }
0x1d6: {  	[sflag:s0] =	ssyncadd.tile.s32 @!p0 $0x1;
	_ =	shalt  }
.Lfunc_end2:
_tile_overlayer_lowered:
.L_overlay_start_2:
0x1d7: {  	(tag) =	ssettag $0x2  }
0x1d8: {  	s0 =	rddreg [dreg:$0x0];
	s2 =	stileid.u32  }
0x1d9: {  	s1 =	rddreg [dreg:$0x1];
	p0 =	sne.s32 s2, $0x0  }
0x1da: {  	s3 =	rddreg [dreg:$0x2];
	[bflag:$0x3] =	sbarrier.arrive $0xFFFF;
	s2 =	simm.s32 @!p0 $0x1C03  }
0x1db: {  	[timem:s3], [sflag:s2] =	dma.local @!p0 [hbm:s0], s1  }
0x1dc: {  	s0 =	simm.s32 @!p0 $0x3  }
0x1dd: {  	_ =	swait.ge @!p0 [sflag:s0], s1  }
0x1de: {  	s1 =	ssub.s32 @!p0 $0x0, s1;
	[sflag:s0] =	ssyncset.done @!p0 $0x0  }
0x1df: {  	[sflag:s0] =	ssyncadd.s32 @!p0 s1  }
0x1e0: {  	[bflag:$0x3] =	sbarrier.arrive $0xFFFF  }
0x1e1: {  	_ =	shalt  }

// kernel: kernel.14.cloned.1.call-start
scs
__scs_entry_jumppad:
0x0: {  	(pc) =	sbr.rel $0x88, $3  }
0x1: {  	(tag) =	ssettag $0x0;
	lr =	simm.s32 $0x1  }
0x2: {  	[smem:$0x3F99] =	sst lr;
	_ =	strace $0xD0000000  }
0x3: {  	_ = 	snop  }
0x4: {  	_ = 	snop  }
0x5: {  	_ = 	snop  }
0x6: {  	_ = 	snop  }
0x7: {  	_ = 	snop  }
__scs_overlays_trampoline_lowered:
0x8: {  	[smem:$0x3FA8] =	sst s0  }
0x9: {  	[smem:$0x3FA9] =	sst s1  }
0xa: {  	[smem:$0x3FAA] =	sst s2  }
0xb: {  	[smem:$0x3FAB] =	sst s3  }
0xc: {  	[smem:$0x3FAC] =	sst s4  }
0xd: {  	[smem:$0x3FAD] =	sst s5  }
0xe: {  	[smem:$0x3FAE] =	sst s6  }
0xf: {  	[smem:$0x3FAF] =	sst s7  }
0x10: {  	[smem:$0x3FB0] =	sst s8  }
0x11: {  	[smem:$0x3FB1] =	sst s9;
	s0 =	simm.s32 @!p0 $0x0  }
0x12: {  	s1 =	sld [smem:$0x3F97];
	s0 =	simm.s32 @p0 $0x1  }
0x13: {  	[smem:$0x3FB2] =	sst s0;
	s0 =	simm.s32 @!p1 $0x0  }
0x14: {  	s2 =	sld [smem:$0x3F96];
	s0 =	simm.s32 @p1 $0x1  }
0x15: {  	[smem:$0x3FB3] =	sst s0;
	s0 =	simm.s32 @!p2 $0x0  }
0x16: {  	s3 =	sld [smem:$0x3FDB];
	s0 =	simm.s32 @p2 $0x1  }
0x17: {  	s4 =	simm.s32 $0x1BF5;
	[smem:$0x3FB5] =	sst s0  }
0x18: {  	s0 =	sld [smem:$0x3F98];
	_ =	swait.ge [sflag:s4], $0x0  }
0x19: {  	s7 =	sld [smem:$0x3F99]  }
0x1a: {  	s8 =	sadd.s32 $0xFFFFE003, lr  }
0x1b: {  	s9 =	sadd.s32 $0xFFFFFEF7, lr;
	s5 =	simm.s32 $0xFFFFFFFF;
	p2 =	slt.u32 s8, $0xFFFFF086  }
0x1c: {  	p1 =	slt.u32 s9, $0xF7A;
	s5 =	simm.s32 @!p2 $0x0  }
0x1d: {  	s5 =	simm.s32 @p1 $0x1;
	p0 =	seq.s32 s7, s2  }
0x1e: {  	s7 =	smul.u32 @!p0 $0xF7A, s2;
	p2 =	seq.s32 @!p0 s5, $0x0  }
0x1f: {  	s9 =	smul.u32 $0xF7A, s1;
	s8 =	simm.s32 @!p0 $0x1BF5;
	p2 =	por !p2, p0  }
0x20: {  	[sflag:s8] =	ssyncset.s32 @!p0 $0xFFFFF086;
	s6 =	sadd.s32 @!p0 s3, s7;
	s7 =	simm.s32 @!p0 $0x108  }
0x21: {  	s3 =	sadd.s32 s3, s9;
	s6 =	sadd.s32 @!p0 $0x88, s6;
	s7 =	simm.s32 @p2 $0x1082  }
0x22: {  	[simem:s7], [sflag:s8] =	dma.local @!p0 [hbm:s6], $0xF7A  }
0x23: {  	s9 =	sor.u32 $0xD0000000, s2;
	s6 =	simm.s32 $0x108;
	_ =	swait.ge @!p0 [sflag:s8], $0x0  }
0x24: {  	s3 =	sadd.s32 $0x88, s3;
	s6 =	simm.s32 @!p1 $0x1082;
	[sflag:s4] =	ssyncset.s32 $0xFFFFF086  }
0x25: {  	[simem:s6], [sflag:s4] =	dma.local [hbm:s3], $0xF7A  }
0x26: {  	[smem:$0x3F99] =	sst s1;
	(tag) =	ssettag s2;
	_ =	strace s9  }
0x27: {  	s1 =	sld [smem:$0x3FA9]  }
0x28: {  	s2 =	sld [smem:$0x3FAA]  }
0x29: {  	s4 =	sld [smem:$0x3FAC]  }
0x2a: {  	p0 =	seq.s32 s5, $0x0;
	s5 =	sld [smem:$0x3FAD]  }
0x2b: {  	s6 =	sld [smem:$0x3FAE]  }
0x2c: {  	s7 =	sld [smem:$0x3FAF]  }
0x2d: {  	s3 =	simm.s32 $0x108;
	s8 =	sld [smem:$0x3FB0]  }
0x2e: {  	s3 =	simm.s32 @!p0 $0x1082;
	s9 =	sld [smem:$0x3FB1]  }
0x2f: {  	lr =	sadd.s32 s0, s3;
	s0 =	sld [smem:$0x3FA8]  }
0x30: {  	s3 =	sld [smem:$0x3FAB]  }
0x31: {  	[smem:$0x3FB4] =	sst s10  }
0x32: {  	s10 =	sld [smem:$0x3FB2];
	_ =	sdelay $0x3  }
0x33: {  	p0 =	seq.s32 s10, $0x1;
	s10 =	sld [smem:$0x3FB4];
	_ =	sdelay $0x3  }
0x34: {  	[smem:$0x3FB4] =	sst s10  }
0x35: {  	s10 =	sld [smem:$0x3FB3];
	_ =	sdelay $0x3  }
0x36: {  	p1 =	seq.s32 s10, $0x1;
	s10 =	sld [smem:$0x3FB4];
	_ =	sdelay $0x3  }
0x37: {  	[smem:$0x3FB4] =	sst s10  }
0x38: {  	s10 =	sld [smem:$0x3FB5]  }
0x39: {  	_ = 	snop;
	(pc) =	sbr.ind lr, $3  }
0x3a: {  	_ = 	snop  }
0x3b: {  	_ = 	snop  }
0x3c: {  	p2 =	seq.s32 s10, $0x1;
	s10 =	sld [smem:$0x3FB4]  }
0x3d: {  	_ =	shalt  }
0x3e: {  	_ =	shalt  }
0x3f: {  	_ =	shalt  }
0x40: {  	_ =	shalt  }
0x41: {  	_ =	shalt  }
0x42: {  	_ =	shalt  }
0x43: {  	_ =	shalt  }
0x44: {  	_ =	shalt  }
0x45: {  	_ =	shalt  }
0x46: {  	_ =	shalt  }
0x47: {  	_ =	shalt  }
0x48: {  	_ =	shalt  }
0x49: {  	_ =	shalt  }
0x4a: {  	_ =	shalt  }
0x4b: {  	_ =	shalt  }
0x4c: {  	_ =	shalt  }
0x4d: {  	_ =	shalt  }
0x4e: {  	_ =	shalt  }
0x4f: {  	_ =	shalt  }
0x50: {  	_ =	shalt  }
0x51: {  	_ =	shalt  }
0x52: {  	_ =	shalt  }
0x53: {  	_ =	shalt  }
0x54: {  	_ =	shalt  }
0x55: {  	_ =	shalt  }
0x56: {  	_ =	shalt  }
0x57: {  	_ =	shalt  }
0x58: {  	_ =	shalt  }
0x59: {  	_ =	shalt  }
0x5a: {  	_ =	shalt  }
0x5b: {  	_ =	shalt  }
0x5c: {  	_ =	shalt  }
0x5d: {  	_ =	shalt  }
0x5e: {  	_ =	shalt  }
0x5f: {  	_ =	shalt  }
0x60: {  	_ =	shalt  }
0x61: {  	_ =	shalt  }
0x62: {  	_ =	shalt  }
0x63: {  	_ =	shalt  }
0x64: {  	_ =	shalt  }
0x65: {  	_ =	shalt  }
0x66: {  	_ =	shalt  }
0x67: {  	_ =	shalt  }
0x68: {  	_ =	shalt  }
0x69: {  	_ =	shalt  }
0x6a: {  	_ =	shalt  }
0x6b: {  	_ =	shalt  }
0x6c: {  	_ =	shalt  }
0x6d: {  	_ =	shalt  }
0x6e: {  	_ =	shalt  }
0x6f: {  	_ =	shalt  }
0x70: {  	_ =	shalt  }
0x71: {  	_ =	shalt  }
0x72: {  	_ =	shalt  }
0x73: {  	_ =	shalt  }
0x74: {  	_ =	shalt  }
0x75: {  	_ =	shalt  }
0x76: {  	_ =	shalt  }
0x77: {  	_ =	shalt  }
0x78: {  	_ =	shalt  }
0x79: {  	_ =	shalt  }
0x7a: {  	_ =	shalt  }
0x7b: {  	_ =	shalt  }
0x7c: {  	_ =	shalt  }
0x7d: {  	_ =	shalt  }
0x7e: {  	_ =	shalt  }
0x7f: {  	_ =	shalt  }
0x80: {  	_ =	shalt  }
0x81: {  	_ =	shalt  }
0x82: {  	_ =	shalt  }
0x83: {  	_ =	shalt  }
0x84: {  	_ =	shalt  }
0x85: {  	_ =	shalt  }
0x86: {  	_ =	shalt  }
0x87: {  	_ =	shalt  }
.Lfunc_end0:
.L_simem_size_0:
called_computation.2_lowered:
.L_overlay_start_0:
0x88: {  	s2 =	sld [smem:$0x3FD9]  }
0x89: {  	s3 =	sld [smem:$0x3FFE];
	_ =	sdelay $0x1  }
0x8a: {  	s1 =	srdreg.scid  }
0x8b: {  	s0 =	sand.u32 $0x1, s1  }
0x8c: {  	s14 =	sshll.u32 s0, $0xA;
	s2 =	sadd.s32 s3, s2  }
0x8d: {  	s2 =	sadd.s32 s2, s14  }
0x8e: {  	[smem:$0x3FC0] =	sst s2  }
0x8f: {  	_ = 	snop  }
0x90: {  	s2 =	sld [smem:$0x3FD0];
	_ =	sdelay $0x2  }
0x91: {  	s15 =	simm.s32 $0xA;
	s4 =	simm.s32 $0x10  }
0x92: {  	[smem:s4], [sflag:s15] =	dma.local [hbm:s2], $0x1  }
0x93: {  	_ =	swait.eq [sflag:s15], $0x1  }
0x94: {  	[sflag:s15] =	ssyncset.done $0x0  }
0x95: {  	s16 =	sld [smem:$0x10];
	[sflag:s15] =	ssyncadd.s32 $0xFFFFFFFF  }
0x96: {  	s17 =	sld [smem:$0x11];
	(tm) =	ssettm $0x1  }
0x97: {  	s18 =	sld [smem:$0x3FFB];
	_ =	sdelay $0x3  }
0x98: {  	_ =	strace s18  }
0x99: {  	s4 =	sld [smem:$0x3FFC];
	_ =	sdelay $0x3  }
0x9a: {  	_ =	strace s4  }
0x9b: {  	s4 =	sld [smem:$0x3FFD];
	_ =	sdelay $0x3  }
0x9c: {  	_ =	strace s4  }
0x9d: {  	_ =	strace $0x8FFFFFFF  }
0x9e: {  	s19 =	sld [smem:$0x3FDB];
	_ =	sdelay $0x1  }
0x9f: {  	s5 =	simm.s32 $_scs_section_size  }
0xa0: {  	s6 =	simm.s32 $_size__tile_overlayer_lowered;
	s7 =	simm.s32 $_tile_overlayer_lowered  }
0xa1: {  	s22 =	simm.s32 $0x1BFF;
	s21 =	sshll.u32 s7, $0x1;
	s4 =	sadd.s32 s5, s19  }
0xa2: {  	s8 =	simm.s32 $0x0;
	s20 =	sshll.u32 s6, $0x1;
	s6 =	sadd.s32 s21, s4  }
0xa3: {  	[timem:s8], [sflag:s22] =	dma.local [hbm:s6], s20  }
0xa4: {  	_ =	swait.ge [sflag:s22], s20  }
0xa5: {  	s5 =	ssub.s32 $0x0, s20;
	[sflag:s22] =	ssyncset.done $0x0  }
0xa6: {  	[sflag:s22] =	ssyncadd.s32 s5;
	_ =	sdelay $0x1  }
0xa7: {  	s23 =	simm.s32 $0x1B8B  }
0xa8: {  	_ =	swait.ge [sflag:s23], $0x1  }
0xa9: {  	[sflag:s23] =	ssyncset.done $0x0  }
0xaa: {  	s25 =	simm.s32 $0x1B8E;
	s24 =	sld [smem:$0x3FFE];
	[sflag:s23] =	ssyncadd.s32 $0xFFFFFFFF  }
0xab: {  	s26 =	simm.s32 $execute0_lowered;
	[smem:$0x3FD2] =	sst s25  }
0xac: {  	s6 =	sshll.u32 s26, $0x1;
	_ =	strace $0x8000004C;
	[dreg:$0x1] =	wrdreg $0xFFFFFFFF  }
0xad: {  	s28 =	simm.s32 $_size_execute0_lowered;
	s4 =	sadd.s32 s4, s6;
	[dreg:$0x0] =	wrdreg $0x0  }
0xae: {  	s6 =	sshll.u32 s28, $0x1;
	[dreg:$0x2] =	wrdreg s4  }
0xaf: {  	[dreg:$0x3] =	wrdreg s6  }
0xb0: {  	[dreg:$0x4] =	wrdreg $0xC0  }
0xb1: {  	_ =	task [dreg:s8], $0x5FFFF  }
0xb2: {  	[dreg:$0x1] =	wrdreg $0xFFFFFFFF  }
0xb3: {  	[dreg:$0x0] =	wrdreg $0x60  }
0xb4: {  	[dreg:$0x2] =	wrdreg s24  }
0xb5: {  	[dreg:$0x3] =	wrdreg s16  }
0xb6: {  	[dreg:$0x4] =	wrdreg s17  }
0xb7: {  	[dreg:$0x5] =	wrdreg $0x0  }
0xb8: {  	[dreg:$0x6] =	wrdreg $0x9  }
0xb9: {  	_ =	task.clear_ibuf [dreg:s8], $0x7FFFF;
	_ =	strace $0x9000004C  }
0xba: {  	s29 =	simm.s32 $0x9;
	_ =	strace $0x8000004E  }
0xbb: {  	_ =	swait.ge [sflag:s29], $0x1  }
0xbc: {  	[sflag:s29] =	ssyncadd.s32 $0xFFFFFFFF  }
0xbd: {  	_ =	strace $0x9000004E  }
0xbe: {  	_ =	sfence  }
0xbf: {  	s30 =	sld [smem:$0x0];
	_ =	sdelay $0x2  }
0xc0: {  	s31 =	sshll.u32 s1, $0xD;
	s1 =	sshrl.u32 s1, $0x2  }
0xc1: {  	s3 =	sand.u32 $0x4000, s31;
	s1 =	sadd.s32 s1, s30  }
0xc2: {  	s0 =	sor.u32 s3, s0;
	s1 =	sshll.u32 s1, $0x11  }
0xc3: {  	s0 =	sor.u32 s1, s0  }
0xc4: {  	s0 =	sadd.s32 $0x8F2B, s0  }
0xc5: {  	[sflag:s0] =	ssyncadd.remote.s32 $0x1  }
0xc6: {  	_ =	sfence.sel $0xFFFF  }
0xc7: {  	[dreg:$0x0] =	wrdreg $0xFFFFFFFF;
	(pc) =	sbr.abs _section_cstart, $3  }
0xc8: {  	[dreg:$0x1] =	wrdreg $0xFFFFFFFF  }
0xc9: {  	_ =	task.clear_ibuf [dreg:s8], $0x2FFFF;
	_ =	strace $0x9FFFFFFF  }
0xca: {  	(tm) =	ssettm $0x7FFFFFFF  }
0xcb: {  	_ =	shalt  }
tec
execute0_lowered:
.L_overlay_start_1:
0x0: {  	(tag) =	ssettag $0x1  }
0x1: {  	s0 =	rddreg [dreg:$0x0];
	s1 =	srdreg.scid  }
0x2: {  	s11 =	stileid.u32;
	s2 =	rddreg [dreg:$0x1]  }
0x3: {  	s3 =	rddreg [dreg:$0x3];
	s4 =	simm.s32 $0x0;
	s12 =	simm.s32 $0x14080  }
0x4: {  	s14 =	simm.s32 $0x14100;
	s15 =	simm.s32 $0x14880;
	[smem:$0x7FF] =	sst s4  }
0x5: {  	s16 =	simm.s32 $0x14180;
	_ =	strace $0x8000004D;
	[dreg:$0x7] =	wrdreg s12  }
0x6: {  	s17 =	simm.s32 $0x14900;
	s18 =	simm.s32 $0x14200;
	[dreg:$0x8] =	wrdreg s14  }
0x7: {  	s19 =	simm.s32 $0x14980;
	s20 =	simm.s32 $0x14280;
	[dreg:$0x9] =	wrdreg s15  }
0x8: {  	s21 =	simm.s32 $0x14A00;
	s22 =	simm.s32 $0x14300;
	[dreg:$0xa] =	wrdreg s16  }
0x9: {  	s23 =	simm.s32 $0x14A80;
	s24 =	simm.s32 $0x14380;
	[dreg:$0xb] =	wrdreg s17  }
0xa: {  	s25 =	simm.s32 $0x14B00;
	s26 =	simm.s32 $0x14400;
	[dreg:$0xc] =	wrdreg s18  }
0xb: {  	s28 =	simm.s32 $0x14680;
	s29 =	simm.s32 $0x14E00;
	[dreg:$0xd] =	wrdreg s19  }
0xc: {  	s30 =	simm.s32 $0x14700;
	s31 =	simm.s32 $0x14E80;
	[dreg:$0xe] =	wrdreg s20  }
0xd: {  	s1 =	sand.u32 $0x1, s1;
	s5 =	smul.u32 $0x2800, s11;
	[dreg:$0xf] =	wrdreg s21  }
0xe: {  	s10 =	smul.u32 $0x50000, s11;
	s13 =	sshll.u32 s11, $0x6;
	[dreg:$0x10] =	wrdreg s22  }
0xf: {  	s11 =	simm.s32 $0x14000;
	s6 =	smul.u32 $0x28000, s1;
	[dreg:$0x11] =	wrdreg s23  }
0x10: {  	s1 =	ssub.s32 $0x2, s1;
	s12 =	simm.s32 $0x14800;
	[dreg:$0x12] =	wrdreg s24  }
0x11: {  	s14 =	simm.s32 $0x15000;
	s15 =	simm.s32 $0x19000;
	[dreg:$0x13] =	wrdreg s25  }
0x12: {  	s16 =	simm.s32 $0x1;
	s17 =	simm.s32 $0x2;
	[dreg:$0x14] =	wrdreg s26  }
0x13: {  	s18 =	simm.s32 $0x14B80;
	s19 =	simm.s32 $0x14480;
	s20 =	simm.s32 $0x14C00  }
0x14: {  	s21 =	simm.s32 $0x14500;
	s22 =	simm.s32 $0x14C80;
	s23 =	simm.s32 $0x14580  }
0x15: {  	s24 =	simm.s32 $0x14D00;
	s25 =	simm.s32 $0x14600;
	s26 =	simm.s32 $0x14D80  }
0x16: {  	s9 =	sshrl.u32 s1, $0x1;
	s6 =	sadd.s32 s5, s6;
	s5 =	sadd.s32 $0xCC00, s0  }
0x17: {  	s1 =	ssub.s32 s1, s9;
	s9 =	sshrl.u32 s10, $0x2;
	s7 =	sshrl.u32 s6, $0x3  }
0x18: {  	s1 =	smax.u32 s1, $0x1;
	s8 =	sadd.s32 s7, s0;
	s0 =	sadd.s32 s6, s0  }
0x19: {  	s2 =	sadd.s32 s7, s2;
	s6 =	sadd.s32 s9, s3;
	[dreg:$0x17] =	wrdreg s1  }
0x1a: {  	s7 =	sor.u32 $0x1C03, s13;
	s13 =	simm.s32 $0x80;
	[dreg:$0x5] =	wrdreg s2  }
0x1b: {  	s1 =	simm.s32 $0x14780;
	s10 =	sadd.s32 $0x2C00, s8;
	[dreg:$0x15] =	wrdreg s7  }
0x1c: {  	s9 =	simm.s32 $0x0;
	s0 =	sadd.s32 $0x34C00, s0;
	[dreg:$0x6] =	wrdreg s10  }
0x1d: {  	s8 =	sshrl.u32 s6, $0x3;
	s2 =	simm.s32 $0x14F80;
	[dreg:$0x16] =	wrdreg s0  }
0x1e: {  	s10 =	simm.s32 $0x3;
	s0 =	simm.s32 $0x14F00;
	[dreg:$0x18] =	wrdreg s8  }
.LBB2_1:
0x1f: {  	[dreg:$0x19] =	wrdreg s9  }
0x20: {  	s6 =	rddreg [dreg:$0x2]  }
0x21: {  	[spmem:s8], [sflag:s7] =	dma.local [hbm:s6], $0x2800  }
0x22: {  	_ =	swait.ge [sflag:s10], $0x2800  }
0x23: {  	[sflag:s10] =	ssyncset.done $0x0  }
0x24: {  	[sflag:s10] =	ssyncadd.s32 $0xFFFFD800  }
0x25: {  	[bflag:$0x0] =	sbarrier.arrive $0xFFFF  }
0x26: {  	s9 =	rddreg [dreg:$0x6]  }
0x27: {  	s6 =	sadd.s32 $0x0, s9  }
0x28: {  	[tilespmem:s11], [sflag:$0x3] =	stream.linear.gather [hbm4b:s6+s4], $0x800, $0x38;
	[tilespmem:$0x1D000] =	vst v63  }
0x29: {  	_ =	swait.ge [sflag:s10], $0x800  }
0x2a: {  	s7 =	rddreg [dreg:$0x5];
	[sflag:s10] =	ssyncset.done $0x0  }
0x2b: {  	[sflag:s10] =	ssyncadd.s32 $0xFFFFF800;
	s6 =	sadd.s32 $0x0, s7  }
0x2c: {  	[tilespmem:s12], [sflag:$0x3] =	stream.linear.gather [hbm4b:s6+s4], $0x800, $0x38;
	[tilespmem:$0x1D000] =	vst v63  }
0x2d: {  	_ =	swait.ge [sflag:s10], $0x800  }
0x2e: {  	[sflag:s10] =	ssyncset.done $0x0  }
0x2f: {  	[sflag:s10] =	ssyncadd.s32 $0xFFFFF800  }
0x30: {  	[tilespmem:s14], [sflag:$0x1] =	stream.indirect.gather [hbm4b:s5+s13], $0x80, s11, s13, $0xb8;
	[tilespmem:$0x1D000] =	vst v63  }
0x31: {  	s8 =	rddreg [dreg:$0x7]  }
0x32: {  	[tilespmem:s15], [sflag:$0x2] =	stream.indirect.gather [hbm4b:s5+s13], $0x80, s8, s13, $0xb8;
	[tilespmem:$0x1D000] =	vst v63  }
0x33: {  	_ =	swait.ge [sflag:s16], $0x4000  }
0x34: {  	[sflag:s16] =	ssyncset.done $0x0  }
0x35: {  	[sflag:s16] =	ssyncadd.s32 $0xFFFFC000  }
0x36: {  	[spmem:s3] =	stream.indirect.scatter.add.f32 [tilespmem:s14], [sflag:$0x3], $0x80, s12, s13, $0xb8;
	[tilespmem:$0x1D000] =	vst v63  }
0x37: {  	_ =	swait.ge [sflag:s10], $0x4000  }
0x38: {  	[sflag:s10] =	ssyncset.done $0x0  }
0x39: {  	s9 =	rddreg [dreg:$0x8];
	[sflag:s10] =	ssyncadd.s32 $0xFFFFC000  }
0x3a: {  	[tilespmem:s14], [sflag:$0x1] =	stream.indirect.gather [hbm4b:s5+s13], $0x80, s9, s13, $0xb8;
	[tilespmem:$0x1D000] =	vst v63  }
0x3b: {  	_ =	swait.ge [sflag:s17], $0x4000  }
0x3c: {  	[sflag:s17] =	ssyncset.done $0x0  }
0x3d: {  	s7 =	rddreg [dreg:$0x9];
	[sflag:s17] =	ssyncadd.s32 $0xFFFFC000  }
0x3e: {  	[spmem:s3] =	stream.indirect.scatter.add.f32 [tilespmem:s15], [sflag:$0x3], $0x80, s7, s13, $0xb8;
	[tilespmem:$0x1D000] =	vst v63  }
0x3f: {  	_ =	swait.ge [sflag:s10], $0x4000  }
0x40: {  	[sflag:s10] =	ssyncset.done $0x0  }
0x41: {  	s8 =	rddreg [dreg:$0xa];
	[sflag:s10] =	ssyncadd.s32 $0xFFFFC000  }
0x42: {  	[tilespmem:s15], [sflag:$0x2] =	stream.indirect.gather [hbm4b:s5+s13], $0x80, s8, s13, $0xb8;
	[tilespmem:$0x1D000] =	vst v63  }
0x43: {  	_ =	swait.ge [sflag:s16], $0x4000  }
0x44: {  	[sflag:s16] =	ssyncset.done $0x0  }
0x45: {  	s9 =	rddreg [dreg:$0xb];
	[sflag:s16] =	ssyncadd.s32 $0xFFFFC000  }
0x46: {  	[spmem:s3] =	stream.indirect.scatter.add.f32 [tilespmem:s14], [sflag:$0x3], $0x80, s9, s13, $0xb8;
	[tilespmem:$0x1D000] =	vst v63  }
0x47: {  	_ =	swait.ge [sflag:s10], $0x4000  }
0x48: {  	[sflag:s10] =	ssyncset.done $0x0  }
0x49: {  	s7 =	rddreg [dreg:$0xc];
	[sflag:s10] =	ssyncadd.s32 $0xFFFFC000  }
0x4a: {  	[tilespmem:s14], [sflag:$0x1] =	stream.indirect.gather [hbm4b:s5+s13], $0x80, s7, s13, $0xb8;
	[tilespmem:$0x1D000] =	vst v63  }
0x4b: {  	_ =	swait.ge [sflag:s17], $0x4000  }
0x4c: {  	[sflag:s17] =	ssyncset.done $0x0  }
0x4d: {  	s8 =	rddreg [dreg:$0xd];
	[sflag:s17] =	ssyncadd.s32 $0xFFFFC000  }
0x4e: {  	[spmem:s3] =	stream.indirect.scatter.add.f32 [tilespmem:s15], [sflag:$0x3], $0x80, s8, s13, $0xb8;
	[tilespmem:$0x1D000] =	vst v63  }
0x4f: {  	_ =	swait.ge [sflag:s10], $0x4000  }
0x50: {  	[sflag:s10] =	ssyncset.done $0x0  }
0x51: {  	s9 =	rddreg [dreg:$0xe];
	[sflag:s10] =	ssyncadd.s32 $0xFFFFC000  }
0x52: {  	[tilespmem:s15], [sflag:$0x2] =	stream.indirect.gather [hbm4b:s5+s13], $0x80, s9, s13, $0xb8;
	[tilespmem:$0x1D000] =	vst v63  }
0x53: {  	_ =	swait.ge [sflag:s16], $0x4000  }
0x54: {  	[sflag:s16] =	ssyncset.done $0x0  }
0x55: {  	s7 =	rddreg [dreg:$0xf];
	[sflag:s16] =	ssyncadd.s32 $0xFFFFC000  }
0x56: {  	[spmem:s3] =	stream.indirect.scatter.add.f32 [tilespmem:s14], [sflag:$0x3], $0x80, s7, s13, $0xb8;
	[tilespmem:$0x1D000] =	vst v63  }
0x57: {  	_ =	swait.ge [sflag:s10], $0x4000  }
0x58: {  	[sflag:s10] =	ssyncset.done $0x0  }
0x59: {  	s8 =	rddreg [dreg:$0x10];
	[sflag:s10] =	ssyncadd.s32 $0xFFFFC000  }
0x5a: {  	[tilespmem:s14], [sflag:$0x1] =	stream.indirect.gather [hbm4b:s5+s13], $0x80, s8, s13, $0xb8;
	[tilespmem:$0x1D000] =	vst v63  }
0x5b: {  	_ =	swait.ge [sflag:s17], $0x4000  }
0x5c: {  	[sflag:s17] =	ssyncset.done $0x0  }
0x5d: {  	s9 =	rddreg [dreg:$0x11];
	[sflag:s17] =	ssyncadd.s32 $0xFFFFC000  }
0x5e: {  	[spmem:s3] =	stream.indirect.scatter.add.f32 [tilespmem:s15], [sflag:$0x3], $0x80, s9, s13, $0xb8;
	[tilespmem:$0x1D000] =	vst v63  }
0x5f: {  	_ =	swait.ge [sflag:s10], $0x4000  }
0x60: {  	[sflag:s10] =	ssyncset.done $0x0  }
0x61: {  	s7 =	rddreg [dreg:$0x12];
	[sflag:s10] =	ssyncadd.s32 $0xFFFFC000  }
0x62: {  	[tilespmem:s15], [sflag:$0x2] =	stream.indirect.gather [hbm4b:s5+s13], $0x80, s7, s13, $0xb8;
	[tilespmem:$0x1D000] =	vst v63  }
0x63: {  	_ =	swait.ge [sflag:s16], $0x4000  }
0x64: {  	[sflag:s16] =	ssyncset.done $0x0  }
0x65: {  	s8 =	rddreg [dreg:$0x13];
	[sflag:s16] =	ssyncadd.s32 $0xFFFFC000  }
0x66: {  	[spmem:s3] =	stream.indirect.scatter.add.f32 [tilespmem:s14], [sflag:$0x3], $0x80, s8, s13, $0xb8;
	[tilespmem:$0x1D000] =	vst v63  }
0x67: {  	_ =	swait.ge [sflag:s10], $0x4000  }
0x68: {  	[sflag:s10] =	ssyncset.done $0x0  }
0x69: {  	s9 =	rddreg [dreg:$0x14];
	[sflag:s10] =	ssyncadd.s32 $0xFFFFC000  }
0x6a: {  	[tilespmem:s14], [sflag:$0x1] =	stream.indirect.gather [hbm4b:s5+s13], $0x80, s9, s13, $0xb8;
	[tilespmem:$0x1D000] =	vst v63  }
0x6b: {  	_ =	swait.ge [sflag:s17], $0x4000  }
0x6c: {  	[sflag:s17] =	ssyncset.done $0x0  }
0x6d: {  	[sflag:s17] =	ssyncadd.s32 $0xFFFFC000  }
0x6e: {  	[spmem:s3] =	stream.indirect.scatter.add.f32 [tilespmem:s15], [sflag:$0x3], $0x80, s18, s13, $0xb8;
	[tilespmem:$0x1D000] =	vst v63  }
0x6f: {  	_ =	swait.ge [sflag:s10], $0x4000  }
0x70: {  	[sflag:s10] =	ssyncset.done $0x0  }
0x71: {  	[sflag:s10] =	ssyncadd.s32 $0xFFFFC000  }
0x72: {  	[tilespmem:s15], [sflag:$0x2] =	stream.indirect.gather [hbm4b:s5+s13], $0x80, s19, s13, $0xb8;
	[tilespmem:$0x1D000] =	vst v63  }
0x73: {  	_ =	swait.ge [sflag:s16], $0x4000  }
0x74: {  	[sflag:s16] =	ssyncset.done $0x0  }
0x75: {  	[sflag:s16] =	ssyncadd.s32 $0xFFFFC000  }
0x76: {  	[spmem:s3] =	stream.indirect.scatter.add.f32 [tilespmem:s14], [sflag:$0x3], $0x80, s20, s13, $0xb8;
	[tilespmem:$0x1D000] =	vst v63  }
0x77: {  	_ =	swait.ge [sflag:s10], $0x4000  }
0x78: {  	[sflag:s10] =	ssyncset.done $0x0  }
0x79: {  	[sflag:s10] =	ssyncadd.s32 $0xFFFFC000  }
0x7a: {  	[tilespmem:s14], [sflag:$0x1] =	stream.indirect.gather [hbm4b:s5+s13], $0x80, s21, s13, $0xb8;
	[tilespmem:$0x1D000] =	vst v63  }
0x7b: {  	_ =	swait.ge [sflag:s17], $0x4000  }
0x7c: {  	[sflag:s17] =	ssyncset.done $0x0  }
0x7d: {  	[sflag:s17] =	ssyncadd.s32 $0xFFFFC000  }
0x7e: {  	[spmem:s3] =	stream.indirect.scatter.add.f32 [tilespmem:s15], [sflag:$0x3], $0x80, s22, s13, $0xb8;
	[tilespmem:$0x1D000] =	vst v63  }
0x7f: {  	_ =	swait.ge [sflag:s10], $0x4000  }
0x80: {  	[sflag:s10] =	ssyncset.done $0x0  }
0x81: {  	[sflag:s10] =	ssyncadd.s32 $0xFFFFC000  }
0x82: {  	[tilespmem:s15], [sflag:$0x2] =	stream.indirect.gather [hbm4b:s5+s13], $0x80, s23, s13, $0xb8;
	[tilespmem:$0x1D000] =	vst v63  }
0x83: {  	_ =	swait.ge [sflag:s16], $0x4000  }
0x84: {  	[sflag:s16] =	ssyncset.done $0x0  }
0x85: {  	[sflag:s16] =	ssyncadd.s32 $0xFFFFC000  }
0x86: {  	[spmem:s3] =	stream.indirect.scatter.add.f32 [tilespmem:s14], [sflag:$0x3], $0x80, s24, s13, $0xb8;
	[tilespmem:$0x1D000] =	vst v63  }
0x87: {  	_ =	swait.ge [sflag:s10], $0x4000  }
0x88: {  	[sflag:s10] =	ssyncset.done $0x0  }
0x89: {  	[sflag:s10] =	ssyncadd.s32 $0xFFFFC000  }
0x8a: {  	[tilespmem:s14], [sflag:$0x1] =	stream.indirect.gather [hbm4b:s5+s13], $0x80, s25, s13, $0xb8;
	[tilespmem:$0x1D000] =	vst v63  }
0x8b: {  	_ =	swait.ge [sflag:s17], $0x4000  }
0x8c: {  	[sflag:s17] =	ssyncset.done $0x0  }
0x8d: {  	[sflag:s17] =	ssyncadd.s32 $0xFFFFC000  }
0x8e: {  	[spmem:s3] =	stream.indirect.scatter.add.f32 [tilespmem:s15], [sflag:$0x3], $0x80, s26, s13, $0xb8;
	[tilespmem:$0x1D000] =	vst v63  }
0x8f: {  	_ =	swait.ge [sflag:s10], $0x4000  }
0x90: {  	[sflag:s10] =	ssyncset.done $0x0  }
0x91: {  	[sflag:s10] =	ssyncadd.s32 $0xFFFFC000  }
0x92: {  	[tilespmem:s15], [sflag:$0x2] =	stream.indirect.gather [hbm4b:s5+s13], $0x80, s28, s13, $0xb8;
	[tilespmem:$0x1D000] =	vst v63  }
0x93: {  	_ =	swait.ge [sflag:s16], $0x4000  }
0x94: {  	[sflag:s16] =	ssyncset.done $0x0  }
0x95: {  	[sflag:s16] =	ssyncadd.s32 $0xFFFFC000  }
0x96: {  	[spmem:s3] =	stream.indirect.scatter.add.f32 [tilespmem:s14], [sflag:$0x3], $0x80, s29, s13, $0xb8;
	[tilespmem:$0x1D000] =	vst v63  }
0x97: {  	_ =	swait.ge [sflag:s10], $0x4000  }
0x98: {  	[sflag:s10] =	ssyncset.done $0x0  }
0x99: {  	[sflag:s10] =	ssyncadd.s32 $0xFFFFC000  }
0x9a: {  	[tilespmem:s14], [sflag:$0x1] =	stream.indirect.gather [hbm4b:s5+s13], $0x80, s30, s13, $0xb8;
	[tilespmem:$0x1D000] =	vst v63  }
0x9b: {  	_ =	swait.ge [sflag:s17], $0x4000  }
0x9c: {  	[sflag:s17] =	ssyncset.done $0x0  }
0x9d: {  	[sflag:s17] =	ssyncadd.s32 $0xFFFFC000  }
0x9e: {  	[spmem:s3] =	stream.indirect.scatter.add.f32 [tilespmem:s15], [sflag:$0x3], $0x80, s31, s13, $0xb8;
	[tilespmem:$0x1D000] =	vst v63  }
0x9f: {  	_ =	swait.ge [sflag:s10], $0x4000  }
0xa0: {  	[sflag:s10] =	ssyncset.done $0x0  }
0xa1: {  	[sflag:s10] =	ssyncadd.s32 $0xFFFFC000  }
0xa2: {  	[tilespmem:s15], [sflag:$0x2] =	stream.indirect.gather [hbm4b:s5+s13], $0x80, s1, s13, $0xb8;
	[tilespmem:$0x1D000] =	vst v63  }
0xa3: {  	_ =	swait.ge [sflag:s16], $0x4000  }
0xa4: {  	[sflag:s16] =	ssyncset.done $0x0  }
0xa5: {  	[sflag:s16] =	ssyncadd.s32 $0xFFFFC000  }
0xa6: {  	[spmem:s3] =	stream.indirect.scatter.add.f32 [tilespmem:s14], [sflag:$0x3], $0x80, s0, s13, $0xb8;
	[tilespmem:$0x1D000] =	vst v63  }
0xa7: {  	_ =	swait.ge [sflag:s10], $0x4000  }
0xa8: {  	[sflag:s10] =	ssyncset.done $0x0  }
0xa9: {  	[sflag:s10] =	ssyncadd.s32 $0xFFFFC000  }
0xaa: {  	_ =	swait.ge [sflag:s17], $0x4000  }
0xab: {  	[sflag:s17] =	ssyncset.done $0x0  }
0xac: {  	[sflag:s17] =	ssyncadd.s32 $0xFFFFC000  }
0xad: {  	[spmem:s3] =	stream.indirect.scatter.add.f32 [tilespmem:s15], [sflag:$0x3], $0x80, s2, s13, $0xb8;
	[tilespmem:$0x1D000] =	vst v63  }
0xae: {  	s6 =	simm.s32 $0x200;
	_ =	swait.ge [sflag:s10], $0x4000  }
0xaf: {  	s8 =	simm.s32 $0x100;
	s9 =	rddreg [dreg:$0x6];
	[sflag:s10] =	ssyncset.done $0x0  }
.LBB2_2:
0xb0: {  	[sflag:s10] =	ssyncadd.s32 $0xFFFFC000;
	s9 =	sadd.s32 s8, s9  }
0xb1: {  	[tilespmem:s11], [sflag:$0x3] =	stream.linear.gather [hbm4b:s9+s4], $0x800, $0x38;
	[tilespmem:$0x1D000] =	vst v63  }
0xb2: {  	_ =	swait.ge [sflag:s10], $0x800  }
0xb3: {  	s9 =	rddreg [dreg:$0x5];
	[sflag:s10] =	ssyncset.done $0x0  }
0xb4: {  	[sflag:s10] =	ssyncadd.s32 $0xFFFFF800;
	s9 =	sadd.s32 s8, s9  }
0xb5: {  	[tilespmem:s12], [sflag:$0x3] =	stream.linear.gather [hbm4b:s9+s4], $0x800, $0x38;
	[tilespmem:$0x1D000] =	vst v63  }
0xb6: {  	_ =	swait.ge [sflag:s10], $0x800  }
0xb7: {  	[sflag:s10] =	ssyncset.done $0x0  }
0xb8: {  	[sflag:s10] =	ssyncadd.s32 $0xFFFFF800  }
0xb9: {  	[tilespmem:s14], [sflag:$0x1] =	stream.indirect.gather [hbm4b:s5+s13], $0x80, s11, s13, $0xb8;
	[tilespmem:$0x1D000] =	vst v63  }
0xba: {  	s9 =	rddreg [dreg:$0x7]  }
0xbb: {  	[tilespmem:s15], [sflag:$0x2] =	stream.indirect.gather [hbm4b:s5+s13], $0x80, s9, s13, $0xb8;
	[tilespmem:$0x1D000] =	vst v63  }
0xbc: {  	_ =	swait.ge [sflag:s16], $0x4000  }
0xbd: {  	[sflag:s16] =	ssyncset.done $0x0  }
0xbe: {  	[sflag:s16] =	ssyncadd.s32 $0xFFFFC000  }
0xbf: {  	[spmem:s3] =	stream.indirect.scatter.add.f32 [tilespmem:s14], [sflag:$0x3], $0x80, s12, s13, $0xb8;
	[tilespmem:$0x1D000] =	vst v63  }
0xc0: {  	_ =	swait.ge [sflag:s10], $0x4000  }
0xc1: {  	[sflag:s10] =	ssyncset.done $0x0  }
0xc2: {  	s9 =	rddreg [dreg:$0x8];
	[sflag:s10] =	ssyncadd.s32 $0xFFFFC000  }
0xc3: {  	[tilespmem:s14], [sflag:$0x1] =	stream.indirect.gather [hbm4b:s5+s13], $0x80, s9, s13, $0xb8;
	[tilespmem:$0x1D000] =	vst v63  }
0xc4: {  	_ =	swait.ge [sflag:s17], $0x4000  }
0xc5: {  	[sflag:s17] =	ssyncset.done $0x0  }
0xc6: {  	s9 =	rddreg [dreg:$0x9];
	[sflag:s17] =	ssyncadd.s32 $0xFFFFC000  }
0xc7: {  	[spmem:s3] =	stream.indirect.scatter.add.f32 [tilespmem:s15], [sflag:$0x3], $0x80, s9, s13, $0xb8;
	[tilespmem:$0x1D000] =	vst v63  }
0xc8: {  	_ =	swait.ge [sflag:s10], $0x4000  }
0xc9: {  	[sflag:s10] =	ssyncset.done $0x0  }
0xca: {  	s9 =	rddreg [dreg:$0xa];
	[sflag:s10] =	ssyncadd.s32 $0xFFFFC000  }
0xcb: {  	[tilespmem:s15], [sflag:$0x2] =	stream.indirect.gather [hbm4b:s5+s13], $0x80, s9, s13, $0xb8;
	[tilespmem:$0x1D000] =	vst v63  }
0xcc: {  	_ =	swait.ge [sflag:s16], $0x4000  }
0xcd: {  	[sflag:s16] =	ssyncset.done $0x0  }
0xce: {  	s9 =	rddreg [dreg:$0xb];
	[sflag:s16] =	ssyncadd.s32 $0xFFFFC000  }
0xcf: {  	[spmem:s3] =	stream.indirect.scatter.add.f32 [tilespmem:s14], [sflag:$0x3], $0x80, s9, s13, $0xb8;
	[tilespmem:$0x1D000] =	vst v63  }
0xd0: {  	_ =	swait.ge [sflag:s10], $0x4000  }
0xd1: {  	[sflag:s10] =	ssyncset.done $0x0  }
0xd2: {  	s9 =	rddreg [dreg:$0xc];
	[sflag:s10] =	ssyncadd.s32 $0xFFFFC000  }
0xd3: {  	[tilespmem:s14], [sflag:$0x1] =	stream.indirect.gather [hbm4b:s5+s13], $0x80, s9, s13, $0xb8;
	[tilespmem:$0x1D000] =	vst v63  }
0xd4: {  	_ =	swait.ge [sflag:s17], $0x4000  }
0xd5: {  	[sflag:s17] =	ssyncset.done $0x0  }
0xd6: {  	s9 =	rddreg [dreg:$0xd];
	[sflag:s17] =	ssyncadd.s32 $0xFFFFC000  }
0xd7: {  	[spmem:s3] =	stream.indirect.scatter.add.f32 [tilespmem:s15], [sflag:$0x3], $0x80, s9, s13, $0xb8;
	[tilespmem:$0x1D000] =	vst v63  }
0xd8: {  	_ =	swait.ge [sflag:s10], $0x4000  }
0xd9: {  	[sflag:s10] =	ssyncset.done $0x0  }
0xda: {  	s9 =	rddreg [dreg:$0xe];
	[sflag:s10] =	ssyncadd.s32 $0xFFFFC000  }
0xdb: {  	[tilespmem:s15], [sflag:$0x2] =	stream.indirect.gather [hbm4b:s5+s13], $0x80, s9, s13, $0xb8;
	[tilespmem:$0x1D000] =	vst v63  }
0xdc: {  	_ =	swait.ge [sflag:s16], $0x4000  }
0xdd: {  	[sflag:s16] =	ssyncset.done $0x0  }
0xde: {  	s9 =	rddreg [dreg:$0xf];
	[sflag:s16] =	ssyncadd.s32 $0xFFFFC000  }
0xdf: {  	[spmem:s3] =	stream.indirect.scatter.add.f32 [tilespmem:s14], [sflag:$0x3], $0x80, s9, s13, $0xb8;
	[tilespmem:$0x1D000] =	vst v63  }
0xe0: {  	_ =	swait.ge [sflag:s10], $0x4000  }
0xe1: {  	[sflag:s10] =	ssyncset.done $0x0  }
0xe2: {  	s9 =	rddreg [dreg:$0x10];
	[sflag:s10] =	ssyncadd.s32 $0xFFFFC000  }
0xe3: {  	[tilespmem:s14], [sflag:$0x1] =	stream.indirect.gather [hbm4b:s5+s13], $0x80, s9, s13, $0xb8;
	[tilespmem:$0x1D000] =	vst v63  }
0xe4: {  	_ =	swait.ge [sflag:s17], $0x4000  }
0xe5: {  	[sflag:s17] =	ssyncset.done $0x0  }
0xe6: {  	s9 =	rddreg [dreg:$0x11];
	[sflag:s17] =	ssyncadd.s32 $0xFFFFC000  }
0xe7: {  	[spmem:s3] =	stream.indirect.scatter.add.f32 [tilespmem:s15], [sflag:$0x3], $0x80, s9, s13, $0xb8;
	[tilespmem:$0x1D000] =	vst v63  }
0xe8: {  	_ =	swait.ge [sflag:s10], $0x4000  }
0xe9: {  	[sflag:s10] =	ssyncset.done $0x0  }
0xea: {  	s9 =	rddreg [dreg:$0x12];
	[sflag:s10] =	ssyncadd.s32 $0xFFFFC000  }
0xeb: {  	[tilespmem:s15], [sflag:$0x2] =	stream.indirect.gather [hbm4b:s5+s13], $0x80, s9, s13, $0xb8;
	[tilespmem:$0x1D000] =	vst v63  }
0xec: {  	_ =	swait.ge [sflag:s16], $0x4000  }
0xed: {  	[sflag:s16] =	ssyncset.done $0x0  }
0xee: {  	s9 =	rddreg [dreg:$0x13];
	[sflag:s16] =	ssyncadd.s32 $0xFFFFC000  }
0xef: {  	[spmem:s3] =	stream.indirect.scatter.add.f32 [tilespmem:s14], [sflag:$0x3], $0x80, s9, s13, $0xb8;
	[tilespmem:$0x1D000] =	vst v63  }
0xf0: {  	_ =	swait.ge [sflag:s10], $0x4000  }
0xf1: {  	[sflag:s10] =	ssyncset.done $0x0  }
0xf2: {  	s9 =	rddreg [dreg:$0x14];
	[sflag:s10] =	ssyncadd.s32 $0xFFFFC000  }
0xf3: {  	[tilespmem:s14], [sflag:$0x1] =	stream.indirect.gather [hbm4b:s5+s13], $0x80, s9, s13, $0xb8;
	[tilespmem:$0x1D000] =	vst v63  }
0xf4: {  	_ =	swait.ge [sflag:s17], $0x4000  }
0xf5: {  	[sflag:s17] =	ssyncset.done $0x0  }
0xf6: {  	[sflag:s17] =	ssyncadd.s32 $0xFFFFC000  }
0xf7: {  	[spmem:s3] =	stream.indirect.scatter.add.f32 [tilespmem:s15], [sflag:$0x3], $0x80, s18, s13, $0xb8;
	[tilespmem:$0x1D000] =	vst v63  }
0xf8: {  	_ =	swait.ge [sflag:s10], $0x4000  }
0xf9: {  	[sflag:s10] =	ssyncset.done $0x0  }
0xfa: {  	[sflag:s10] =	ssyncadd.s32 $0xFFFFC000  }
0xfb: {  	[tilespmem:s15], [sflag:$0x2] =	stream.indirect.gather [hbm4b:s5+s13], $0x80, s19, s13, $0xb8;
	[tilespmem:$0x1D000] =	vst v63  }
0xfc: {  	_ =	swait.ge [sflag:s16], $0x4000  }
0xfd: {  	[sflag:s16] =	ssyncset.done $0x0  }
0xfe: {  	[sflag:s16] =	ssyncadd.s32 $0xFFFFC000  }
0xff: {  	[spmem:s3] =	stream.indirect.scatter.add.f32 [tilespmem:s14], [sflag:$0x3], $0x80, s20, s13, $0xb8;
	[tilespmem:$0x1D000] =	vst v63  }
0x100: {  	_ =	swait.ge [sflag:s10], $0x4000  }
0x101: {  	[sflag:s10] =	ssyncset.done $0x0  }
0x102: {  	[sflag:s10] =	ssyncadd.s32 $0xFFFFC000  }
0x103: {  	[tilespmem:s14], [sflag:$0x1] =	stream.indirect.gather [hbm4b:s5+s13], $0x80, s21, s13, $0xb8;
	[tilespmem:$0x1D000] =	vst v63  }
0x104: {  	_ =	swait.ge [sflag:s17], $0x4000  }
0x105: {  	[sflag:s17] =	ssyncset.done $0x0  }
0x106: {  	[sflag:s17] =	ssyncadd.s32 $0xFFFFC000  }
0x107: {  	[spmem:s3] =	stream.indirect.scatter.add.f32 [tilespmem:s15], [sflag:$0x3], $0x80, s22, s13, $0xb8;
	[tilespmem:$0x1D000] =	vst v63  }
0x108: {  	_ =	swait.ge [sflag:s10], $0x4000  }
0x109: {  	[sflag:s10] =	ssyncset.done $0x0  }
0x10a: {  	[sflag:s10] =	ssyncadd.s32 $0xFFFFC000  }
0x10b: {  	[tilespmem:s15], [sflag:$0x2] =	stream.indirect.gather [hbm4b:s5+s13], $0x80, s23, s13, $0xb8;
	[tilespmem:$0x1D000] =	vst v63  }
0x10c: {  	_ =	swait.ge [sflag:s16], $0x4000  }
0x10d: {  	[sflag:s16] =	ssyncset.done $0x0  }
0x10e: {  	[sflag:s16] =	ssyncadd.s32 $0xFFFFC000  }
0x10f: {  	[spmem:s3] =	stream.indirect.scatter.add.f32 [tilespmem:s14], [sflag:$0x3], $0x80, s24, s13, $0xb8;
	[tilespmem:$0x1D000] =	vst v63  }
0x110: {  	_ =	swait.ge [sflag:s10], $0x4000  }
0x111: {  	[sflag:s10] =	ssyncset.done $0x0  }
0x112: {  	[sflag:s10] =	ssyncadd.s32 $0xFFFFC000  }
0x113: {  	[tilespmem:s14], [sflag:$0x1] =	stream.indirect.gather [hbm4b:s5+s13], $0x80, s25, s13, $0xb8;
	[tilespmem:$0x1D000] =	vst v63  }
0x114: {  	_ =	swait.ge [sflag:s17], $0x4000  }
0x115: {  	[sflag:s17] =	ssyncset.done $0x0  }
0x116: {  	[sflag:s17] =	ssyncadd.s32 $0xFFFFC000  }
0x117: {  	[spmem:s3] =	stream.indirect.scatter.add.f32 [tilespmem:s15], [sflag:$0x3], $0x80, s26, s13, $0xb8;
	[tilespmem:$0x1D000] =	vst v63  }
0x118: {  	_ =	swait.ge [sflag:s10], $0x4000  }
0x119: {  	[sflag:s10] =	ssyncset.done $0x0  }
0x11a: {  	[sflag:s10] =	ssyncadd.s32 $0xFFFFC000  }
0x11b: {  	[tilespmem:s15], [sflag:$0x2] =	stream.indirect.gather [hbm4b:s5+s13], $0x80, s28, s13, $0xb8;
	[tilespmem:$0x1D000] =	vst v63  }
0x11c: {  	_ =	swait.ge [sflag:s16], $0x4000  }
0x11d: {  	[sflag:s16] =	ssyncset.done $0x0  }
0x11e: {  	[sflag:s16] =	ssyncadd.s32 $0xFFFFC000  }
0x11f: {  	[spmem:s3] =	stream.indirect.scatter.add.f32 [tilespmem:s14], [sflag:$0x3], $0x80, s29, s13, $0xb8;
	[tilespmem:$0x1D000] =	vst v63  }
0x120: {  	_ =	swait.ge [sflag:s10], $0x4000  }
0x121: {  	[sflag:s10] =	ssyncset.done $0x0  }
0x122: {  	[sflag:s10] =	ssyncadd.s32 $0xFFFFC000  }
0x123: {  	[tilespmem:s14], [sflag:$0x1] =	stream.indirect.gather [hbm4b:s5+s13], $0x80, s30, s13, $0xb8;
	[tilespmem:$0x1D000] =	vst v63  }
0x124: {  	_ =	swait.ge [sflag:s17], $0x4000  }
0x125: {  	[sflag:s17] =	ssyncset.done $0x0  }
0x126: {  	[sflag:s17] =	ssyncadd.s32 $0xFFFFC000  }
0x127: {  	[spmem:s3] =	stream.indirect.scatter.add.f32 [tilespmem:s15], [sflag:$0x3], $0x80, s31, s13, $0xb8;
	[tilespmem:$0x1D000] =	vst v63  }
0x128: {  	_ =	swait.ge [sflag:s10], $0x4000  }
0x129: {  	[sflag:s10] =	ssyncset.done $0x0  }
0x12a: {  	[sflag:s10] =	ssyncadd.s32 $0xFFFFC000  }
0x12b: {  	[tilespmem:s15], [sflag:$0x2] =	stream.indirect.gather [hbm4b:s5+s13], $0x80, s1, s13, $0xb8;
	[tilespmem:$0x1D000] =	vst v63  }
0x12c: {  	_ =	swait.ge [sflag:s16], $0x4000  }
0x12d: {  	[sflag:s16] =	ssyncset.done $0x0  }
0x12e: {  	[sflag:s16] =	ssyncadd.s32 $0xFFFFC000  }
0x12f: {  	[spmem:s3] =	stream.indirect.scatter.add.f32 [tilespmem:s14], [sflag:$0x3], $0x80, s0, s13, $0xb8;
	[tilespmem:$0x1D000] =	vst v63  }
0x130: {  	_ =	swait.ge [sflag:s10], $0x4000  }
0x131: {  	[sflag:s10] =	ssyncset.done $0x0  }
0x132: {  	[sflag:s10] =	ssyncadd.s32 $0xFFFFC000  }
0x133: {  	p0 =	sne.s32 s6, $0x400;
	_ =	swait.ge [sflag:s17], $0x4000  }
.Ltmp0:
0x134: {  	[sflag:s17] =	ssyncset.done $0x0;
	(pc) =	sbr.rel @p0 .LBB2_2-.Ltmp0, $4  }
0x135: {  	[sflag:s17] =	ssyncadd.s32 $0xFFFFC000  }
0x136: {  	[spmem:s3] =	stream.indirect.scatter.add.f32 [tilespmem:s15], [sflag:$0x3], $0x80, s2, s13, $0xb8;
	[tilespmem:$0x1D000] =	vst v63  }
0x137: {  	s7 =	smov.u32 s6;
	s6 =	sadd.s32 $0x100, s6;
	_ =	swait.ge [sflag:s10], $0x4000  }
0x138: {  	s8 =	smov.u32 s7;
	s9 =	rddreg [dreg:$0x6];
	[sflag:s10] =	ssyncset.done $0x0  }
0x139: {  	[sflag:s10] =	ssyncadd.s32 $0xFFFFC000;
	s6 =	sadd.s32 s8, s9  }
0x13a: {  	[tilespmem:s11], [sflag:$0x3] =	stream.linear.gather [hbm4b:s6+s4], $0x800, $0x38;
	[tilespmem:$0x1D000] =	vst v63  }
0x13b: {  	_ =	swait.ge [sflag:s10], $0x800  }
0x13c: {  	s9 =	rddreg [dreg:$0x5];
	[sflag:s10] =	ssyncset.done $0x0  }
0x13d: {  	s6 =	sadd.s32 s8, s9;
	[sflag:s10] =	ssyncadd.s32 $0xFFFFF800  }
0x13e: {  	[tilespmem:s12], [sflag:$0x3] =	stream.linear.gather [hbm4b:s6+s4], $0x800, $0x38;
	[tilespmem:$0x1D000] =	vst v63  }
0x13f: {  	_ =	swait.ge [sflag:s10], $0x800  }
0x140: {  	[sflag:s10] =	ssyncset.done $0x0  }
0x141: {  	[sflag:s10] =	ssyncadd.s32 $0xFFFFF800  }
0x142: {  	[tilespmem:s14], [sflag:$0x1] =	stream.indirect.gather [hbm4b:s5+s13], $0x80, s11, s13, $0xb8;
	[tilespmem:$0x1D000] =	vst v63  }
0x143: {  	s7 =	rddreg [dreg:$0x7]  }
0x144: {  	[tilespmem:s15], [sflag:$0x2] =	stream.indirect.gather [hbm4b:s5+s13], $0x80, s7, s13, $0xb8;
	[tilespmem:$0x1D000] =	vst v63  }
0x145: {  	_ =	swait.ge [sflag:s16], $0x4000  }
0x146: {  	[sflag:s16] =	ssyncset.done $0x0  }
0x147: {  	[sflag:s16] =	ssyncadd.s32 $0xFFFFC000  }
0x148: {  	[spmem:s3] =	stream.indirect.scatter.add.f32 [tilespmem:s14], [sflag:$0x3], $0x80, s12, s13, $0xb8;
	[tilespmem:$0x1D000] =	vst v63  }
0x149: {  	_ =	swait.ge [sflag:s10], $0x4000  }
0x14a: {  	[sflag:s10] =	ssyncset.done $0x0  }
0x14b: {  	s8 =	rddreg [dreg:$0x8];
	[sflag:s10] =	ssyncadd.s32 $0xFFFFC000  }
0x14c: {  	[tilespmem:s14], [sflag:$0x1] =	stream.indirect.gather [hbm4b:s5+s13], $0x80, s8, s13, $0xb8;
	[tilespmem:$0x1D000] =	vst v63  }
0x14d: {  	_ =	swait.ge [sflag:s17], $0x4000  }
0x14e: {  	[sflag:s17] =	ssyncset.done $0x0  }
0x14f: {  	s9 =	rddreg [dreg:$0x9];
	[sflag:s17] =	ssyncadd.s32 $0xFFFFC000  }
0x150: {  	[spmem:s3] =	stream.indirect.scatter.add.f32 [tilespmem:s15], [sflag:$0x3], $0x80, s9, s13, $0xb8;
	[tilespmem:$0x1D000] =	vst v63  }
0x151: {  	_ =	swait.ge [sflag:s10], $0x4000  }
0x152: {  	[sflag:s10] =	ssyncset.done $0x0  }
0x153: {  	s7 =	rddreg [dreg:$0xa];
	[sflag:s10] =	ssyncadd.s32 $0xFFFFC000  }
0x154: {  	[tilespmem:s15], [sflag:$0x2] =	stream.indirect.gather [hbm4b:s5+s13], $0x80, s7, s13, $0xb8;
	[tilespmem:$0x1D000] =	vst v63  }
0x155: {  	_ =	swait.ge [sflag:s16], $0x4000  }
0x156: {  	[sflag:s16] =	ssyncset.done $0x0  }
0x157: {  	s8 =	rddreg [dreg:$0xb];
	[sflag:s16] =	ssyncadd.s32 $0xFFFFC000  }
0x158: {  	[spmem:s3] =	stream.indirect.scatter.add.f32 [tilespmem:s14], [sflag:$0x3], $0x80, s8, s13, $0xb8;
	[tilespmem:$0x1D000] =	vst v63  }
0x159: {  	_ =	swait.ge [sflag:s10], $0x4000  }
0x15a: {  	[sflag:s10] =	ssyncset.done $0x0  }
0x15b: {  	s9 =	rddreg [dreg:$0xc];
	[sflag:s10] =	ssyncadd.s32 $0xFFFFC000  }
0x15c: {  	[tilespmem:s14], [sflag:$0x1] =	stream.indirect.gather [hbm4b:s5+s13], $0x80, s9, s13, $0xb8;
	[tilespmem:$0x1D000] =	vst v63  }
0x15d: {  	_ =	swait.ge [sflag:s17], $0x4000  }
0x15e: {  	[sflag:s17] =	ssyncset.done $0x0  }
0x15f: {  	s7 =	rddreg [dreg:$0xd];
	[sflag:s17] =	ssyncadd.s32 $0xFFFFC000  }
0x160: {  	[spmem:s3] =	stream.indirect.scatter.add.f32 [tilespmem:s15], [sflag:$0x3], $0x80, s7, s13, $0xb8;
	[tilespmem:$0x1D000] =	vst v63  }
0x161: {  	_ =	swait.ge [sflag:s10], $0x4000  }
0x162: {  	[sflag:s10] =	ssyncset.done $0x0  }
0x163: {  	s8 =	rddreg [dreg:$0xe];
	[sflag:s10] =	ssyncadd.s32 $0xFFFFC000  }
0x164: {  	[tilespmem:s15], [sflag:$0x2] =	stream.indirect.gather [hbm4b:s5+s13], $0x80, s8, s13, $0xb8;
	[tilespmem:$0x1D000] =	vst v63  }
0x165: {  	_ =	swait.ge [sflag:s16], $0x4000  }
0x166: {  	[sflag:s16] =	ssyncset.done $0x0  }
0x167: {  	s9 =	rddreg [dreg:$0xf];
	[sflag:s16] =	ssyncadd.s32 $0xFFFFC000  }
0x168: {  	[spmem:s3] =	stream.indirect.scatter.add.f32 [tilespmem:s14], [sflag:$0x3], $0x80, s9, s13, $0xb8;
	[tilespmem:$0x1D000] =	vst v63  }
0x169: {  	_ =	swait.ge [sflag:s10], $0x4000  }
0x16a: {  	[sflag:s10] =	ssyncset.done $0x0  }
0x16b: {  	s7 =	rddreg [dreg:$0x10];
	[sflag:s10] =	ssyncadd.s32 $0xFFFFC000  }
0x16c: {  	[tilespmem:s14], [sflag:$0x1] =	stream.indirect.gather [hbm4b:s5+s13], $0x80, s7, s13, $0xb8;
	[tilespmem:$0x1D000] =	vst v63  }
0x16d: {  	_ =	swait.ge [sflag:s17], $0x4000  }
0x16e: {  	[sflag:s17] =	ssyncset.done $0x0  }
0x16f: {  	s8 =	rddreg [dreg:$0x11];
	[sflag:s17] =	ssyncadd.s32 $0xFFFFC000  }
0x170: {  	[spmem:s3] =	stream.indirect.scatter.add.f32 [tilespmem:s15], [sflag:$0x3], $0x80, s8, s13, $0xb8;
	[tilespmem:$0x1D000] =	vst v63  }
0x171: {  	_ =	swait.ge [sflag:s10], $0x4000  }
0x172: {  	[sflag:s10] =	ssyncset.done $0x0  }
0x173: {  	s9 =	rddreg [dreg:$0x12];
	[sflag:s10] =	ssyncadd.s32 $0xFFFFC000  }
0x174: {  	[tilespmem:s15], [sflag:$0x2] =	stream.indirect.gather [hbm4b:s5+s13], $0x80, s9, s13, $0xb8;
	[tilespmem:$0x1D000] =	vst v63  }
0x175: {  	_ =	swait.ge [sflag:s16], $0x4000  }
0x176: {  	[sflag:s16] =	ssyncset.done $0x0  }
0x177: {  	s7 =	rddreg [dreg:$0x13];
	[sflag:s16] =	ssyncadd.s32 $0xFFFFC000  }
0x178: {  	[spmem:s3] =	stream.indirect.scatter.add.f32 [tilespmem:s14], [sflag:$0x3], $0x80, s7, s13, $0xb8;
	[tilespmem:$0x1D000] =	vst v63  }
0x179: {  	_ =	swait.ge [sflag:s10], $0x4000  }
0x17a: {  	[sflag:s10] =	ssyncset.done $0x0  }
0x17b: {  	s8 =	rddreg [dreg:$0x14];
	[sflag:s10] =	ssyncadd.s32 $0xFFFFC000  }
0x17c: {  	[tilespmem:s14], [sflag:$0x1] =	stream.indirect.gather [hbm4b:s5+s13], $0x80, s8, s13, $0xb8;
	[tilespmem:$0x1D000] =	vst v63  }
0x17d: {  	_ =	swait.ge [sflag:s17], $0x4000  }
0x17e: {  	[sflag:s17] =	ssyncset.done $0x0  }
0x17f: {  	[sflag:s17] =	ssyncadd.s32 $0xFFFFC000  }
0x180: {  	[spmem:s3] =	stream.indirect.scatter.add.f32 [tilespmem:s15], [sflag:$0x3], $0x80, s18, s13, $0xb8;
	[tilespmem:$0x1D000] =	vst v63  }
0x181: {  	_ =	swait.ge [sflag:s10], $0x4000  }
0x182: {  	[sflag:s10] =	ssyncset.done $0x0  }
0x183: {  	[sflag:s10] =	ssyncadd.s32 $0xFFFFC000  }
0x184: {  	[tilespmem:s15], [sflag:$0x2] =	stream.indirect.gather [hbm4b:s5+s13], $0x80, s19, s13, $0xb8;
	[tilespmem:$0x1D000] =	vst v63  }
0x185: {  	_ =	swait.ge [sflag:s16], $0x4000  }
0x186: {  	[sflag:s16] =	ssyncset.done $0x0  }
0x187: {  	[sflag:s16] =	ssyncadd.s32 $0xFFFFC000  }
0x188: {  	[spmem:s3] =	stream.indirect.scatter.add.f32 [tilespmem:s14], [sflag:$0x3], $0x80, s20, s13, $0xb8;
	[tilespmem:$0x1D000] =	vst v63  }
0x189: {  	_ =	swait.ge [sflag:s10], $0x4000  }
0x18a: {  	[sflag:s10] =	ssyncset.done $0x0  }
0x18b: {  	[sflag:s10] =	ssyncadd.s32 $0xFFFFC000  }
0x18c: {  	[tilespmem:s14], [sflag:$0x1] =	stream.indirect.gather [hbm4b:s5+s13], $0x80, s21, s13, $0xb8;
	[tilespmem:$0x1D000] =	vst v63  }
0x18d: {  	_ =	swait.ge [sflag:s17], $0x4000  }
0x18e: {  	[sflag:s17] =	ssyncset.done $0x0  }
0x18f: {  	[sflag:s17] =	ssyncadd.s32 $0xFFFFC000  }
0x190: {  	[spmem:s3] =	stream.indirect.scatter.add.f32 [tilespmem:s15], [sflag:$0x3], $0x80, s22, s13, $0xb8;
	[tilespmem:$0x1D000] =	vst v63  }
0x191: {  	_ =	swait.ge [sflag:s10], $0x4000  }
0x192: {  	[sflag:s10] =	ssyncset.done $0x0  }
0x193: {  	[sflag:s10] =	ssyncadd.s32 $0xFFFFC000  }
0x194: {  	[tilespmem:s15], [sflag:$0x2] =	stream.indirect.gather [hbm4b:s5+s13], $0x80, s23, s13, $0xb8;
	[tilespmem:$0x1D000] =	vst v63  }
0x195: {  	_ =	swait.ge [sflag:s16], $0x4000  }
0x196: {  	[sflag:s16] =	ssyncset.done $0x0  }
0x197: {  	[sflag:s16] =	ssyncadd.s32 $0xFFFFC000  }
0x198: {  	[spmem:s3] =	stream.indirect.scatter.add.f32 [tilespmem:s14], [sflag:$0x3], $0x80, s24, s13, $0xb8;
	[tilespmem:$0x1D000] =	vst v63  }
0x199: {  	_ =	swait.ge [sflag:s10], $0x4000  }
0x19a: {  	[sflag:s10] =	ssyncset.done $0x0  }
0x19b: {  	[sflag:s10] =	ssyncadd.s32 $0xFFFFC000  }
0x19c: {  	[tilespmem:s14], [sflag:$0x1] =	stream.indirect.gather [hbm4b:s5+s13], $0x80, s25, s13, $0xb8;
	[tilespmem:$0x1D000] =	vst v63  }
0x19d: {  	_ =	swait.ge [sflag:s17], $0x4000  }
0x19e: {  	[sflag:s17] =	ssyncset.done $0x0  }
0x19f: {  	[sflag:s17] =	ssyncadd.s32 $0xFFFFC000  }
0x1a0: {  	[spmem:s3] =	stream.indirect.scatter.add.f32 [tilespmem:s15], [sflag:$0x3], $0x80, s26, s13, $0xb8;
	[tilespmem:$0x1D000] =	vst v63  }
0x1a1: {  	_ =	swait.ge [sflag:s10], $0x4000  }
0x1a2: {  	[sflag:s10] =	ssyncset.done $0x0  }
0x1a3: {  	[sflag:s10] =	ssyncadd.s32 $0xFFFFC000  }
0x1a4: {  	[tilespmem:s15], [sflag:$0x2] =	stream.indirect.gather [hbm4b:s5+s13], $0x80, s28, s13, $0xb8;
	[tilespmem:$0x1D000] =	vst v63  }
0x1a5: {  	_ =	swait.ge [sflag:s16], $0x4000  }
0x1a6: {  	[sflag:s16] =	ssyncset.done $0x0  }
0x1a7: {  	[sflag:s16] =	ssyncadd.s32 $0xFFFFC000  }
0x1a8: {  	[spmem:s3] =	stream.indirect.scatter.add.f32 [tilespmem:s14], [sflag:$0x3], $0x80, s29, s13, $0xb8;
	[tilespmem:$0x1D000] =	vst v63  }
0x1a9: {  	_ =	swait.ge [sflag:s10], $0x4000  }
0x1aa: {  	[sflag:s10] =	ssyncset.done $0x0  }
0x1ab: {  	[sflag:s10] =	ssyncadd.s32 $0xFFFFC000  }
0x1ac: {  	[tilespmem:s14], [sflag:$0x1] =	stream.indirect.gather [hbm4b:s5+s13], $0x80, s30, s13, $0xb8;
	[tilespmem:$0x1D000] =	vst v63  }
0x1ad: {  	_ =	swait.ge [sflag:s17], $0x4000  }
0x1ae: {  	[sflag:s17] =	ssyncset.done $0x0  }
0x1af: {  	[sflag:s17] =	ssyncadd.s32 $0xFFFFC000  }
0x1b0: {  	[spmem:s3] =	stream.indirect.scatter.add.f32 [tilespmem:s15], [sflag:$0x3], $0x80, s31, s13, $0xb8;
	[tilespmem:$0x1D000] =	vst v63  }
0x1b1: {  	_ =	swait.ge [sflag:s10], $0x4000  }
0x1b2: {  	[sflag:s10] =	ssyncset.done $0x0  }
0x1b3: {  	[sflag:s10] =	ssyncadd.s32 $0xFFFFC000  }
0x1b4: {  	[tilespmem:s15], [sflag:$0x2] =	stream.indirect.gather [hbm4b:s5+s13], $0x80, s1, s13, $0xb8;
	[tilespmem:$0x1D000] =	vst v63  }
0x1b5: {  	_ =	swait.ge [sflag:s16], $0x4000  }
0x1b6: {  	[sflag:s16] =	ssyncset.done $0x0  }
0x1b7: {  	[sflag:s16] =	ssyncadd.s32 $0xFFFFC000  }
0x1b8: {  	[spmem:s3] =	stream.indirect.scatter.add.f32 [tilespmem:s14], [sflag:$0x3], $0x80, s0, s13, $0xb8;
	[tilespmem:$0x1D000] =	vst v63  }
0x1b9: {  	_ =	swait.ge [sflag:s10], $0x4000  }
0x1ba: {  	[sflag:s10] =	ssyncset.done $0x0  }
0x1bb: {  	[sflag:s10] =	ssyncadd.s32 $0xFFFFC000  }
0x1bc: {  	_ =	swait.ge [sflag:s17], $0x4000  }
0x1bd: {  	[sflag:s17] =	ssyncset.done $0x0  }
0x1be: {  	[sflag:s17] =	ssyncadd.s32 $0xFFFFC000  }
0x1bf: {  	[spmem:s3] =	stream.indirect.scatter.add.f32 [tilespmem:s15], [sflag:$0x3], $0x80, s2, s13, $0xb8;
	[tilespmem:$0x1D000] =	vst v63  }
0x1c0: {  	_ =	swait.ge [sflag:s10], $0x4000  }
0x1c1: {  	[sflag:s10] =	ssyncset.done $0x0  }
0x1c2: {  	[sflag:s10] =	ssyncadd.s32 $0xFFFFC000  }
0x1c3: {  	[bflag:$0x0] =	sbarrier.arrive $0xFFFF  }
0x1c4: {  	s7 =	rddreg [dreg:$0x15]  }
0x1c5: {  	s9 =	rddreg [dreg:$0x16]  }
0x1c6: {  	s8 =	rddreg [dreg:$0x18]  }
0x1c7: {  	[hbm:s9], [sflag:s7] =	dma.local [spmem:s8], $0x2800  }
0x1c8: {  	_ =	swait.ge [sflag:s10], $0x2800  }
0x1c9: {  	s6 =	rddreg [dreg:$0x19]  }
0x1ca: {  	s9 =	sadd.s32 $0x1, s6;
	s6 =	rddreg [dreg:$0x17]  }
0x1cb: {  	p0 =	sne.s32 s9, s6  }
.Ltmp1:
0x1cc: {  	_ = 	snop;
	(pc) =	sbr.rel @p0 .LBB2_1-.Ltmp1, $3  }
0x1cd: {  	_ =	sdelay $0x1  }
0x1ce: {  	[sflag:s10] =	ssyncset.done $0x0  }
0x1cf: {  	[sflag:s10] =	ssyncadd.s32 $0xFFFFD800  }
0x1d0: {  	_ =	sfence.sel $0x180000  }
0x1d1: {  	[bflag:$0x0] =	sbarrier.arrive $0xFFFF  }
0x1d2: {  	_ =	strace $0x9000004D  }
0x1d3: {  	s0 =	stileid.u32;
	[bflag:$0x2] =	sbarrier.arrive $0xFFFF  }
0x1d4: {  	p0 =	sne.s32 s0, $0x0;
	s0 =	rddreg [dreg:$0x4]  }
0x1d5: {  	s0 =	sadd.s32 @!p0 $0x100000, s0  }
0x1d6: {  	[sflag:s0] =	ssyncadd.tile.s32 @!p0 $0x1;
	_ =	shalt  }
.Lfunc_end2:
_tile_overlayer_lowered:
.L_overlay_start_2:
0x1d7: {  	(tag) =	ssettag $0x2  }
0x1d8: {  	s0 =	rddreg [dreg:$0x0];
	s2 =	stileid.u32  }
0x1d9: {  	s1 =	rddreg [dreg:$0x1];
	p0 =	sne.s32 s2, $0x0  }
0x1da: {  	s3 =	rddreg [dreg:$0x2];
	[bflag:$0x3] =	sbarrier.arrive $0xFFFF;
	s2 =	simm.s32 @!p0 $0x1C03  }
0x1db: {  	[timem:s3], [sflag:s2] =	dma.local @!p0 [hbm:s0], s1  }
0x1dc: {  	s0 =	simm.s32 @!p0 $0x3  }
0x1dd: {  	_ =	swait.ge @!p0 [sflag:s0], s1  }
0x1de: {  	s1 =	ssub.s32 @!p0 $0x0, s1;
	[sflag:s0] =	ssyncset.done @!p0 $0x0  }
0x1df: {  	[sflag:s0] =	ssyncadd.s32 @!p0 s1  }
0x1e0: {  	[bflag:$0x3] =	sbarrier.arrive $0xFFFF  }
0x1e1: {  	_ =	shalt  }

// kernel: kernel.8.cloned.1.call-start
scs
__scs_entry_jumppad:
0x0: {  	(pc) =	sbr.rel $0x88, $3  }
0x1: {  	(tag) =	ssettag $0x0;
	lr =	simm.s32 $0x1  }
0x2: {  	[smem:$0x3F99] =	sst lr;
	_ =	strace $0xD0000000  }
0x3: {  	_ = 	snop  }
0x4: {  	_ = 	snop  }
0x5: {  	_ = 	snop  }
0x6: {  	_ = 	snop  }
0x7: {  	_ = 	snop  }
__scs_overlays_trampoline_lowered:
0x8: {  	[smem:$0x3FA8] =	sst s0  }
0x9: {  	[smem:$0x3FA9] =	sst s1  }
0xa: {  	[smem:$0x3FAA] =	sst s2  }
0xb: {  	[smem:$0x3FAB] =	sst s3  }
0xc: {  	[smem:$0x3FAC] =	sst s4  }
0xd: {  	[smem:$0x3FAD] =	sst s5  }
0xe: {  	[smem:$0x3FAE] =	sst s6  }
0xf: {  	[smem:$0x3FAF] =	sst s7  }
0x10: {  	[smem:$0x3FB0] =	sst s8  }
0x11: {  	[smem:$0x3FB1] =	sst s9;
	s0 =	simm.s32 @!p0 $0x0  }
0x12: {  	s1 =	sld [smem:$0x3F97];
	s0 =	simm.s32 @p0 $0x1  }
0x13: {  	[smem:$0x3FB2] =	sst s0;
	s0 =	simm.s32 @!p1 $0x0  }
0x14: {  	s2 =	sld [smem:$0x3F96];
	s0 =	simm.s32 @p1 $0x1  }
0x15: {  	[smem:$0x3FB3] =	sst s0;
	s0 =	simm.s32 @!p2 $0x0  }
0x16: {  	s3 =	sld [smem:$0x3FDB];
	s0 =	simm.s32 @p2 $0x1  }
0x17: {  	s4 =	simm.s32 $0x1BF5;
	[smem:$0x3FB5] =	sst s0  }
0x18: {  	s0 =	sld [smem:$0x3F98];
	_ =	swait.ge [sflag:s4], $0x0  }
0x19: {  	s7 =	sld [smem:$0x3F99]  }
0x1a: {  	s8 =	sadd.s32 $0xFFFFE003, lr  }
0x1b: {  	s9 =	sadd.s32 $0xFFFFFEF7, lr;
	s5 =	simm.s32 $0xFFFFFFFF;
	p2 =	slt.u32 s8, $0xFFFFF086  }
0x1c: {  	p1 =	slt.u32 s9, $0xF7A;
	s5 =	simm.s32 @!p2 $0x0  }
0x1d: {  	s5 =	simm.s32 @p1 $0x1;
	p0 =	seq.s32 s7, s2  }
0x1e: {  	s7 =	smul.u32 @!p0 $0xF7A, s2;
	p2 =	seq.s32 @!p0 s5, $0x0  }
0x1f: {  	s9 =	smul.u32 $0xF7A, s1;
	s8 =	simm.s32 @!p0 $0x1BF5;
	p2 =	por !p2, p0  }
0x20: {  	[sflag:s8] =	ssyncset.s32 @!p0 $0xFFFFF086;
	s6 =	sadd.s32 @!p0 s3, s7;
	s7 =	simm.s32 @!p0 $0x108  }
0x21: {  	s3 =	sadd.s32 s3, s9;
	s6 =	sadd.s32 @!p0 $0x88, s6;
	s7 =	simm.s32 @p2 $0x1082  }
0x22: {  	[simem:s7], [sflag:s8] =	dma.local @!p0 [hbm:s6], $0xF7A  }
0x23: {  	s9 =	sor.u32 $0xD0000000, s2;
	s6 =	simm.s32 $0x108;
	_ =	swait.ge @!p0 [sflag:s8], $0x0  }
0x24: {  	s3 =	sadd.s32 $0x88, s3;
	s6 =	simm.s32 @!p1 $0x1082;
	[sflag:s4] =	ssyncset.s32 $0xFFFFF086  }
0x25: {  	[simem:s6], [sflag:s4] =	dma.local [hbm:s3], $0xF7A  }
0x26: {  	[smem:$0x3F99] =	sst s1;
	(tag) =	ssettag s2;
	_ =	strace s9  }
0x27: {  	s1 =	sld [smem:$0x3FA9]  }
0x28: {  	s2 =	sld [smem:$0x3FAA]  }
0x29: {  	s4 =	sld [smem:$0x3FAC]  }
0x2a: {  	p0 =	seq.s32 s5, $0x0;
	s5 =	sld [smem:$0x3FAD]  }
0x2b: {  	s6 =	sld [smem:$0x3FAE]  }
0x2c: {  	s7 =	sld [smem:$0x3FAF]  }
0x2d: {  	s3 =	simm.s32 $0x108;
	s8 =	sld [smem:$0x3FB0]  }
0x2e: {  	s3 =	simm.s32 @!p0 $0x1082;
	s9 =	sld [smem:$0x3FB1]  }
0x2f: {  	lr =	sadd.s32 s0, s3;
	s0 =	sld [smem:$0x3FA8]  }
0x30: {  	s3 =	sld [smem:$0x3FAB]  }
0x31: {  	[smem:$0x3FB4] =	sst s10  }
0x32: {  	s10 =	sld [smem:$0x3FB2];
	_ =	sdelay $0x3  }
0x33: {  	p0 =	seq.s32 s10, $0x1;
	s10 =	sld [smem:$0x3FB4];
	_ =	sdelay $0x3  }
0x34: {  	[smem:$0x3FB4] =	sst s10  }
0x35: {  	s10 =	sld [smem:$0x3FB3];
	_ =	sdelay $0x3  }
0x36: {  	p1 =	seq.s32 s10, $0x1;
	s10 =	sld [smem:$0x3FB4];
	_ =	sdelay $0x3  }
0x37: {  	[smem:$0x3FB4] =	sst s10  }
0x38: {  	s10 =	sld [smem:$0x3FB5]  }
0x39: {  	_ = 	snop;
	(pc) =	sbr.ind lr, $3  }
0x3a: {  	_ = 	snop  }
0x3b: {  	_ = 	snop  }
0x3c: {  	p2 =	seq.s32 s10, $0x1;
	s10 =	sld [smem:$0x3FB4]  }
0x3d: {  	_ =	shalt  }
0x3e: {  	_ =	shalt  }
0x3f: {  	_ =	shalt  }
0x40: {  	_ =	shalt  }
0x41: {  	_ =	shalt  }
0x42: {  	_ =	shalt  }
0x43: {  	_ =	shalt  }
0x44: {  	_ =	shalt  }
0x45: {  	_ =	shalt  }
0x46: {  	_ =	shalt  }
0x47: {  	_ =	shalt  }
0x48: {  	_ =	shalt  }
0x49: {  	_ =	shalt  }
0x4a: {  	_ =	shalt  }
0x4b: {  	_ =	shalt  }
0x4c: {  	_ =	shalt  }
0x4d: {  	_ =	shalt  }
0x4e: {  	_ =	shalt  }
0x4f: {  	_ =	shalt  }
0x50: {  	_ =	shalt  }
0x51: {  	_ =	shalt  }
0x52: {  	_ =	shalt  }
0x53: {  	_ =	shalt  }
0x54: {  	_ =	shalt  }
0x55: {  	_ =	shalt  }
0x56: {  	_ =	shalt  }
0x57: {  	_ =	shalt  }
0x58: {  	_ =	shalt  }
0x59: {  	_ =	shalt  }
0x5a: {  	_ =	shalt  }
0x5b: {  	_ =	shalt  }
0x5c: {  	_ =	shalt  }
0x5d: {  	_ =	shalt  }
0x5e: {  	_ =	shalt  }
0x5f: {  	_ =	shalt  }
0x60: {  	_ =	shalt  }
0x61: {  	_ =	shalt  }
0x62: {  	_ =	shalt  }
0x63: {  	_ =	shalt  }
0x64: {  	_ =	shalt  }
0x65: {  	_ =	shalt  }
0x66: {  	_ =	shalt  }
0x67: {  	_ =	shalt  }
0x68: {  	_ =	shalt  }
0x69: {  	_ =	shalt  }
0x6a: {  	_ =	shalt  }
0x6b: {  	_ =	shalt  }
0x6c: {  	_ =	shalt  }
0x6d: {  	_ =	shalt  }
0x6e: {  	_ =	shalt  }
0x6f: {  	_ =	shalt  }
0x70: {  	_ =	shalt  }
0x71: {  	_ =	shalt  }
0x72: {  	_ =	shalt  }
0x73: {  	_ =	shalt  }
0x74: {  	_ =	shalt  }
0x75: {  	_ =	shalt  }
0x76: {  	_ =	shalt  }
0x77: {  	_ =	shalt  }
0x78: {  	_ =	shalt  }
0x79: {  	_ =	shalt  }
0x7a: {  	_ =	shalt  }
0x7b: {  	_ =	shalt  }
0x7c: {  	_ =	shalt  }
0x7d: {  	_ =	shalt  }
0x7e: {  	_ =	shalt  }
0x7f: {  	_ =	shalt  }
0x80: {  	_ =	shalt  }
0x81: {  	_ =	shalt  }
0x82: {  	_ =	shalt  }
0x83: {  	_ =	shalt  }
0x84: {  	_ =	shalt  }
0x85: {  	_ =	shalt  }
0x86: {  	_ =	shalt  }
0x87: {  	_ =	shalt  }
.Lfunc_end0:
.L_simem_size_0:
called_computation_lowered:
.L_overlay_start_0:
0x88: {  	s2 =	sld [smem:$0x3FD9]  }
0x89: {  	s3 =	sld [smem:$0x3FFE];
	_ =	sdelay $0x1  }
0x8a: {  	s1 =	srdreg.scid  }
0x8b: {  	s0 =	sand.u32 $0x1, s1  }
0x8c: {  	s14 =	sshll.u32 s0, $0xA;
	s2 =	sadd.s32 s3, s2  }
0x8d: {  	s2 =	sadd.s32 s2, s14  }
0x8e: {  	[smem:$0x3FC0] =	sst s2  }
0x8f: {  	_ = 	snop  }
0x90: {  	s2 =	sld [smem:$0x3FD0];
	_ =	sdelay $0x2  }
0x91: {  	s15 =	simm.s32 $0xA;
	s4 =	simm.s32 $0x10  }
0x92: {  	[smem:s4], [sflag:s15] =	dma.local [hbm:s2], $0x1  }
0x93: {  	_ =	swait.eq [sflag:s15], $0x1  }
0x94: {  	[sflag:s15] =	ssyncset.done $0x0  }
0x95: {  	s16 =	sld [smem:$0x10];
	[sflag:s15] =	ssyncadd.s32 $0xFFFFFFFF  }
0x96: {  	s17 =	sld [smem:$0x11];
	(tm) =	ssettm $0x1  }
0x97: {  	s18 =	sld [smem:$0x3FFB];
	_ =	sdelay $0x3  }
0x98: {  	_ =	strace s18  }
0x99: {  	s4 =	sld [smem:$0x3FFC];
	_ =	sdelay $0x3  }
0x9a: {  	_ =	strace s4  }
0x9b: {  	s4 =	sld [smem:$0x3FFD];
	_ =	sdelay $0x3  }
0x9c: {  	_ =	strace s4  }
0x9d: {  	_ =	strace $0x8FFFFFFF  }
0x9e: {  	s19 =	sld [smem:$0x3FDB];
	_ =	sdelay $0x1  }
0x9f: {  	s5 =	simm.s32 $_scs_section_size  }
0xa0: {  	s6 =	simm.s32 $_size__tile_overlayer_lowered;
	s7 =	simm.s32 $_tile_overlayer_lowered  }
0xa1: {  	s22 =	simm.s32 $0x1BFF;
	s21 =	sshll.u32 s7, $0x1;
	s4 =	sadd.s32 s5, s19  }
0xa2: {  	s8 =	simm.s32 $0x0;
	s20 =	sshll.u32 s6, $0x1;
	s6 =	sadd.s32 s21, s4  }
0xa3: {  	[timem:s8], [sflag:s22] =	dma.local [hbm:s6], s20  }
0xa4: {  	_ =	swait.ge [sflag:s22], s20  }
0xa5: {  	s5 =	ssub.s32 $0x0, s20;
	[sflag:s22] =	ssyncset.done $0x0  }
0xa6: {  	[sflag:s22] =	ssyncadd.s32 s5;
	_ =	sdelay $0x1  }
0xa7: {  	s23 =	simm.s32 $0x1B8B  }
0xa8: {  	_ =	swait.ge [sflag:s23], $0x1  }
0xa9: {  	[sflag:s23] =	ssyncset.done $0x0  }
0xaa: {  	s25 =	simm.s32 $0x1B8E;
	s24 =	sld [smem:$0x3FFE];
	[sflag:s23] =	ssyncadd.s32 $0xFFFFFFFF  }
0xab: {  	s26 =	simm.s32 $execute0_lowered;
	[smem:$0x3FD2] =	sst s25  }
0xac: {  	s6 =	sshll.u32 s26, $0x1;
	_ =	strace $0x80000046;
	[dreg:$0x1] =	wrdreg $0xFFFFFFFF  }
0xad: {  	s28 =	simm.s32 $_size_execute0_lowered;
	s4 =	sadd.s32 s4, s6;
	[dreg:$0x0] =	wrdreg $0x0  }
0xae: {  	s6 =	sshll.u32 s28, $0x1;
	[dreg:$0x2] =	wrdreg s4  }
0xaf: {  	[dreg:$0x3] =	wrdreg s6  }
0xb0: {  	[dreg:$0x4] =	wrdreg $0xC0  }
0xb1: {  	_ =	task [dreg:s8], $0x5FFFF  }
0xb2: {  	[dreg:$0x1] =	wrdreg $0xFFFFFFFF  }
0xb3: {  	[dreg:$0x0] =	wrdreg $0x60  }
0xb4: {  	[dreg:$0x2] =	wrdreg s16  }
0xb5: {  	[dreg:$0x3] =	wrdreg s24  }
0xb6: {  	[dreg:$0x4] =	wrdreg s17  }
0xb7: {  	[dreg:$0x5] =	wrdreg $0x0  }
0xb8: {  	[dreg:$0x6] =	wrdreg $0x9  }
0xb9: {  	_ =	task.clear_ibuf [dreg:s8], $0x7FFFF;
	_ =	strace $0x90000046  }
0xba: {  	s29 =	simm.s32 $0x9;
	_ =	strace $0x80000048  }
0xbb: {  	_ =	swait.ge [sflag:s29], $0x1  }
0xbc: {  	[sflag:s29] =	ssyncadd.s32 $0xFFFFFFFF  }
0xbd: {  	_ =	strace $0x90000048  }
0xbe: {  	_ =	sfence  }
0xbf: {  	s30 =	sld [smem:$0x0];
	_ =	sdelay $0x2  }
0xc0: {  	s31 =	sshll.u32 s1, $0xD;
	s1 =	sshrl.u32 s1, $0x2  }
0xc1: {  	s3 =	sand.u32 $0x4000, s31;
	s1 =	sadd.s32 s1, s30  }
0xc2: {  	s0 =	sor.u32 s3, s0;
	s1 =	sshll.u32 s1, $0x11  }
0xc3: {  	s0 =	sor.u32 s1, s0  }
0xc4: {  	s0 =	sadd.s32 $0x8F2B, s0  }
0xc5: {  	[sflag:s0] =	ssyncadd.remote.s32 $0x1  }
0xc6: {  	_ =	sfence.sel $0xFFFF  }
0xc7: {  	[dreg:$0x0] =	wrdreg $0xFFFFFFFF;
	(pc) =	sbr.abs _section_cstart, $3  }
0xc8: {  	[dreg:$0x1] =	wrdreg $0xFFFFFFFF  }
0xc9: {  	_ =	task.clear_ibuf [dreg:s8], $0x2FFFF;
	_ =	strace $0x9FFFFFFF  }
0xca: {  	(tm) =	ssettm $0x7FFFFFFF  }
0xcb: {  	_ =	shalt  }
tec
execute0_lowered:
.L_overlay_start_1:
0x0: {  	(tag) =	ssettag $0x1  }
0x1: {  	s6 =	rddreg [dreg:$0x0]  }
0x2: {  	s5 =	rddreg [dreg:$0x1]  }
0x3: {  	s7 =	rddreg [dreg:$0x2]  }
0x4: {  	s2 =	rddreg [dreg:$0x3]  }
0x5: {  	s0 =	rddreg [dreg:$0x4]  }
0x6: {  	s3 =	simm.s32 $0x0;
	s4 =	srdreg.scid;
	s1 =	stileid.u32  }
0x7: {  	s14 =	simm.s32 $0x80;
	s15 =	simm.s32 $0x0;
	[smem:$0x7FF] =	sst s3  }
0x8: {  	s8 =	sand.u32 $0x1, s4;
	s9 =	smul.u32 $0x280, s1;
	s4 =	sadd.s32 $0xCC00, s5  }
0x9: {  	s5 =	sadd.s32 $0xCE00, s5;
	s31 =	sshll.u32 s1, $0x6;
	_ =	strace $0x80000047  }
0xa: {  	s10 =	sshll.u32 s8, $0x4;
	s11 =	smul.u32 $0x2800, s8;
	s8 =	ssub.s32 $0x2, s8  }
0xb: {  	s10 =	sor.u32 s1, s10;
	s12 =	sshrl.u32 s8, $0x1;
	s13 =	sadd.s32 s9, s2  }
0xc: {  	s10 =	smul.u32 $0x500, s10;
	s11 =	sadd.s32 s9, s11;
	s8 =	ssub.s32 s8, s12  }
0xd: {  	s9 =	simm.s32 $0x2A80;
	s12 =	sor.u32 $0x1C01, s31;
	s13 =	sshrl.u32 s13, $0x3  }
0xe: {  	s11 =	sshrl.u32 s11, $0x3;
	s8 =	smax.u32 s8, $0x1;
	s6 =	sadd.s32 s6, s10  }
0xf: {  	s7 =	sadd.s32 s7, s11;
	s10 =	simm.s32 $0x1;
	s11 =	simm.s32 $0x280  }
.LBB2_1:
0x10: {  	[tilespmem:s9], [sflag:$0x1] =	stream.linear.gather [hbm4b:s4+s3], $0x80, $0x38;
	[tilespmem:$0x2B00] =	vst v63  }
0x11: {  	_ =	swait.ge [sflag:s10], $0x80  }
0x12: {  	[sflag:s10] =	ssyncset.done $0x0  }
0x13: {  	[sflag:s10] =	ssyncadd.s32 $0xFFFFFF80  }
0x14: {  	[tilespmem:s11], [sflag:$0x1] =	stream.linear.gather [hbm4b:s6+s3], $0x2800, $0x38;
	[tilespmem:$0x2B00] =	vst v63  }
0x15: {  	_ =	swait.ge [sflag:s10], $0x2800  }
0x16: {  	[sflag:s10] =	ssyncset.done $0x0  }
0x17: {  	[sflag:s10] =	ssyncadd.s32 $0xFFFFD800  }
0x18: {  	[spmem:s13], [sflag:s12] =	dma.local [hbm:s5], $0x50  }
0x19: {  	_ =	swait.ge [sflag:s10], $0x50  }
0x1a: {  	[sflag:s10] =	ssyncset.done $0x0  }
0x1b: {  	[sflag:s10] =	ssyncadd.s32 $0xFFFFFFB0  }
0x1c: {  	s16 =	simm.s32 $0x280;
	[bflag:$0x0] =	sbarrier.arrive $0xFFFF  }
0x1d: {  	[spmem:s2] =	stream.indirect.scatter.add.f32 [tilespmem:s9], [sflag:$0x1], $0x1, s16, s14, $0xb8;
	[tilespmem:$0x2B00] =	vst v63  }
0x1e: {  	s16 =	simm.s32 $0x200;
	_ =	swait.ge [sflag:s10], $0x80  }
.LBB2_2:
0x1f: {  	s17 =	sshra.s32 s16, $0x2;
	[sflag:s10] =	ssyncset.done $0x0;
	p0 =	sne.s32 s16, $0x9E00  }
.Ltmp0:
0x20: {  	s17 =	sadd.s32 $0x280, s17;
	[sflag:s10] =	ssyncadd.s32 $0xFFFFFF80;
	(pc) =	sbr.rel @p0 .LBB2_2-.Ltmp0, $3  }
0x21: {  	[spmem:s2] =	stream.indirect.scatter.add.f32 [tilespmem:s9], [sflag:$0x1], $0x1, s17, s14, $0xb8;
	[tilespmem:$0x2B00] =	vst v63  }
0x22: {  	s16 =	sadd.s32 $0x200, s16;
	_ =	sdelay $0x1  }
0x23: {  	_ =	swait.ge [sflag:s10], $0x80  }
0x24: {  	[sflag:s10] =	ssyncset.done $0x0;
	s15 =	sadd.s32 $0x1, s15  }
0x25: {  	[sflag:s10] =	ssyncadd.s32 $0xFFFFFF80;
	p0 =	sne.s32 s15, s8  }
.Ltmp1:
0x26: {  	[bflag:$0x0] =	sbarrier.arrive $0xFFFF;
	(pc) =	sbr.rel @p0 .LBB2_1-.Ltmp1, $4  }
0x27: {  	[hbm:s7], [sflag:s12] =	dma.local [spmem:s13], $0x50  }
0x28: {  	_ =	swait.ge [sflag:s10], $0x50  }
0x29: {  	[sflag:s10] =	ssyncset.done $0x0  }
0x2a: {  	[sflag:s10] =	ssyncadd.s32 $0xFFFFFFB0  }
0x2b: {  	_ =	sfence.sel $0x180000  }
0x2c: {  	[bflag:$0x0] =	sbarrier.arrive $0xFFFF  }
0x2d: {  	p0 =	sne.s32 s1, $0x0;
	_ =	strace $0x90000047  }
0x2e: {  	s0 =	sadd.s32 @!p0 $0x100000, s0;
	[bflag:$0x2] =	sbarrier.arrive $0xFFFF  }
0x2f: {  	[sflag:s0] =	ssyncadd.tile.s32 @!p0 $0x1;
	_ =	shalt  }
.Lfunc_end2:
_tile_overlayer_lowered:
.L_overlay_start_2:
0x30: {  	(tag) =	ssettag $0x2  }
0x31: {  	s0 =	rddreg [dreg:$0x0];
	s2 =	stileid.u32  }
0x32: {  	s1 =	rddreg [dreg:$0x1];
	p0 =	sne.s32 s2, $0x0  }
0x33: {  	s3 =	rddreg [dreg:$0x2];
	[bflag:$0x3] =	sbarrier.arrive $0xFFFF;
	s2 =	simm.s32 @!p0 $0x1C01  }
0x34: {  	[timem:s3], [sflag:s2] =	dma.local @!p0 [hbm:s0], s1  }
0x35: {  	s0 =	simm.s32 @!p0 $0x1  }
0x36: {  	_ =	swait.ge @!p0 [sflag:s0], s1  }
0x37: {  	s1 =	ssub.s32 @!p0 $0x0, s1;
	[sflag:s0] =	ssyncset.done @!p0 $0x0  }
0x38: {  	[sflag:s0] =	ssyncadd.s32 @!p0 s1  }
0x39: {  	[bflag:$0x3] =	sbarrier.arrive $0xFFFF  }
0x3a: {  	_ =	shalt  }

</sc_bundles>
